<compile_context>
chip_gen: v7x
topology: tpu7x:2x2x1
jax: 0.10.2.dev20260603
libtpu: 0.0.44.dev20260713+nightly
codegen_flags: <defaults>
</compile_context>

<pallas_src>
import functools

import jax
import jax.numpy as jnp
from jax import lax
from jax.experimental import pallas as pl
from jax.experimental.pallas import tpu as pltpu, tpu_sc as plsc

EPS = 1e-05



def _emb_body(usage_ref, esum_ref, emb_ref, emb2_ref, e2_ref):
    u = jnp.clip(usage_ref[...], EPS, None)
    emb = esum_ref[...] / u
    emb_ref[...] = emb
    emb2_ref[...] = emb + emb
    e2_ref[...] = jnp.sum(emb * emb, axis=1, keepdims=True)


def _compute_emb(cluster_usage, embedding_sum, tk=2048):
    K, D = embedding_sum.shape
    usage2d = cluster_usage.reshape(K, 1)
    emb, emb2, e2 = pl.pallas_call(
        _emb_body,
        grid=(K // tk,),
        in_specs=[
            pl.BlockSpec((tk, 1), lambda i: (i, 0)),
            pl.BlockSpec((tk, D), lambda i: (i, 0)),
        ],
        out_specs=[
            pl.BlockSpec((tk, D), lambda i: (i, 0)),
            pl.BlockSpec((tk, D), lambda i: (i, 0)),
            pl.BlockSpec((tk, 1), lambda i: (i, 0)),
        ],
        out_shape=[
            jax.ShapeDtypeStruct((K, D), jnp.float32),
            jax.ShapeDtypeStruct((K, D), jnp.float32),
            jax.ShapeDtypeStruct((K, 1), jnp.float32),
        ],
    )(usage2d, embedding_sum)
    return emb, emb2, e2




def _argmin_body(x_ref, emb2_ref, e2_ref, iota_ref, codes_ref):
    xb = x_ref[...]
    x2 = jnp.sum(xb * xb, axis=1, keepdims=True)
    dot2 = lax.dot_general(xb, emb2_ref[...], (((1,), (1,)), ((), ())),
                           preferred_element_type=jnp.float32)
    d2 = (x2 + e2_ref[...]) - dot2
    m = jnp.min(d2, axis=1, keepdims=True)
    s = jnp.sqrt(m)
    nxt = lax.bitcast_convert_type(
        lax.bitcast_convert_type(s, jnp.int32) + 1, jnp.float32)
    ulp = nxt - s
    hu = 0.5 * ulp
    c = s * 4097.0
    hi = c - (c - s)
    lo = s - hi
    p1 = s * s
    e1 = ((hi * hi - p1) + 2.0 * (hi * lo)) + lo * lo
    r = (e1 + s * ulp) + hu * hu
    q = p1 + r
    dq = (p1 - q) + r
    qprev = lax.bitcast_convert_type(
        lax.bitcast_convert_type(q, jnp.int32) - 1, jnp.float32)
    u = jnp.maximum(jnp.where(dq >= 0.0, q, qprev), m)

    cand = jnp.where(d2 <= u, iota_ref[...], jnp.float32(3e38))
    rowarg = jnp.min(cand, axis=1, keepdims=True)
    codes_ref[...] = rowarg.astype(jnp.int32)


def _compute_codes(x_part, emb2, e2_row, iota_row, tn=256):
    N, D = x_part.shape
    K = emb2.shape[0]
    codes = pl.pallas_call(
        _argmin_body,
        grid=(N // tn,),
        in_specs=[
            pl.BlockSpec((tn, D), lambda n: (n, 0)),
            pl.BlockSpec((K, D), lambda n: (0, 0)),
            pl.BlockSpec((1, K), lambda n: (0, 0)),
            pl.BlockSpec((1, K), lambda n: (0, 0)),
        ],
        out_specs=pl.BlockSpec((tn, 1), lambda n: (n, 0)),
        out_shape=jax.ShapeDtypeStruct((N, 1), jnp.int32),
        compiler_params=pltpu.CompilerParams(
            dimension_semantics=("arbitrary",),
        ),
    )(x_part, emb2, e2_row, iota_row)
    return codes.reshape(N)



_SC_CHUNK = 128
_SC_NBUF = 3


def _sc_gather(emb, codes):
    N, = codes.shape
    K, D = emb.shape
    info = plsc.get_sparse_core_info()
    nc, ns = info.num_cores, info.num_subcores
    nw = nc * ns
    per_w = N // nw
    n_chunks = per_w // _SC_CHUNK
    nbuf = min(_SC_NBUF, n_chunks)
    mesh = plsc.VectorSubcoreMesh(core_axis_name="c", subcore_axis_name="s")

    @functools.partial(
        pl.kernel,
        mesh=mesh,
        out_type=jax.ShapeDtypeStruct((N, D), jnp.float32),
        scratch_types=(
            [pltpu.VMEM((per_w,), jnp.int32)]
            + [pltpu.VMEM((_SC_CHUNK, D), jnp.float32)] * nbuf
            + [pltpu.SemaphoreType.DMA] * (2 * nbuf)
        ),
    )
    def gather_k(emb_hbm, codes_hbm, out_hbm, idx_v, *bufsem):
        bufs = bufsem[:nbuf]
        gsems = bufsem[nbuf:2 * nbuf]
        wsems = bufsem[2 * nbuf:]
        wid = lax.axis_index("s") * nc + lax.axis_index("c")
        base = wid * per_w
        pltpu.sync_copy(codes_hbm.at[pl.ds(base, per_w)], idx_v)

        def start_gather(c):
            pltpu.async_copy(
                emb_hbm.at[idx_v.at[pl.ds(c * _SC_CHUNK, _SC_CHUNK)]],
                bufs[c % nbuf], gsems[c % nbuf])

        for c in range(min(nbuf, n_chunks)):
            start_gather(c)
        for c in range(n_chunks):
            b = c % nbuf
            pltpu.make_async_copy(
                emb_hbm.at[idx_v.at[pl.ds(c * _SC_CHUNK, _SC_CHUNK)]],
                bufs[b], gsems[b]).wait()
            wcopy = pltpu.async_copy(
                bufs[b], out_hbm.at[pl.ds(base + c * _SC_CHUNK, _SC_CHUNK)],
                wsems[b])
            if c + nbuf < n_chunks:
                wcopy.wait()
                start_gather(c + nbuf)
        for c in range(max(0, n_chunks - nbuf), n_chunks):
            b = c % nbuf
            pltpu.make_async_copy(
                bufs[b],
                out_hbm.at[pl.ds(base + c * _SC_CHUNK, _SC_CHUNK)],
                wsems[b]).wait()

    return gather_k(emb, codes)




def kernel(x, cluster_usage, embedding_sum):
    B, D, T = x.shape
    K = embedding_sum.shape[0]
    N = B * T
    emb, emb2, e2 = _compute_emb(cluster_usage, embedding_sum)
    e2_row = e2.reshape(1, K)
    iota_row = lax.broadcasted_iota(jnp.float32, (1, K), 1)
    x_flat = jnp.transpose(x, (0, 2, 1)).reshape(N, D)
    codes = _compute_codes(x_flat, emb2, e2_row, iota_row)
    dec = _sc_gather(emb, codes)
    return jnp.transpose(dec.reshape(B, T, D), (0, 2, 1))

# --- scband reference (transcript-rebuilt; emitter-appended) ---
"""Pipeline reference for scband-semantic-codebook-3642132267287 (READ-ONLY COPY).

The authoritative reference and input builder live on the scoring server;
editing this copy changes nothing except your own understanding.
"""

import jax, jax.numpy as jnp
import numpy as np

EPSILON = 1e-05

def setup_inputs(seed: int = 0) -> dict:
    key = jax.random.key(seed)
    k1, k2, k3 = jax.random.split(key, 3)
    x = jax.random.normal(k1, (16, 256, 1024), dtype=jnp.float32)
    cluster_usage = jax.random.uniform(k2, (8192,), dtype=jnp.float32)
    embedding_sum = jax.random.normal(k3, (8192, 256), dtype=jnp.float32)
    return {"x": x, "cluster_usage": cluster_usage, "embedding_sum": embedding_sum}


def reference(x, cluster_usage, embedding_sum):
    # embedding property: embedding_sum / cluster_usage.clamp(min=eps)[:, None]
    emb = embedding_sum / jnp.clip(cluster_usage, EPSILON, None)[:, None]  # (K, D)
    B, D, T = x.shape
    # encode: rearrange 'b d t -> (b t) d'
    x_flat = jnp.transpose(x, (0, 2, 1)).reshape(B * T, D)  # (N, D)
    # torch.cdist(x_flat, emb, p=2): euclidean distances (N, K)
    x2 = jnp.sum(x_flat * x_flat, axis=1, keepdims=True)        # (N, 1)
    e2 = jnp.sum(emb * emb, axis=1)[None, :]                    # (1, K)
    d2 = x2 + e2 - 2.0 * (x_flat @ emb.T)                       # (N, K)
    distances = jnp.sqrt(jnp.clip(d2, 0.0, None))
    codes = jnp.argmin(distances, axis=-1).reshape(B, 1, T)     # (B, 1, T)
    # decode: codes.squeeze(1) -> F.embedding -> 'b t d -> b d t'
    codes_sq = codes[:, 0, :]                                   # (B, T)
    dec = jnp.take(emb, codes_sq, axis=0)                       # (B, T, D)
    out = jnp.transpose(dec, (0, 2, 1))                         # (B, D, T)
    return out

if __name__ == "__main__":
    import jax
    _d = setup_inputs()
    print(jax.jit(kernel)(*tuple(_d.values())))

</pallas_src>

<mosaic_0001>
#map = affine_map<(d0, d1) -> (0, 0)>
#map1 = affine_map<(d0, d1) -> (0)>
module attributes {stable_mosaic.version = 14 : i64} {
  func.func @gather_k(%arg0: i32, %arg1: i32, %arg2: memref<8192x256xf32, #tpu.memory_space<hbm>>, %arg3: memref<16384xi32, #tpu.memory_space<hbm>>, %arg4: memref<16384x256xf32, #tpu.memory_space<hbm>>, %arg5: memref<512xi32, #tpu.memory_space<vmem>>, %arg6: memref<128x256xf32, #tpu.memory_space<vmem>>, %arg7: memref<128x256xf32, #tpu.memory_space<vmem>>, %arg8: memref<128x256xf32, #tpu.memory_space<vmem>>, %arg9: memref<!tpu.dma_semaphore, #tpu.memory_space<semaphore_mem>>, %arg10: memref<!tpu.dma_semaphore, #tpu.memory_space<semaphore_mem>>, %arg11: memref<!tpu.dma_semaphore, #tpu.memory_space<semaphore_mem>>, %arg12: memref<!tpu.dma_semaphore, #tpu.memory_space<semaphore_mem>>, %arg13: memref<!tpu.dma_semaphore, #tpu.memory_space<semaphore_mem>>, %arg14: memref<!tpu.dma_semaphore, #tpu.memory_space<semaphore_mem>>) attributes {dimension_semantics = [#tpu.dimension_semantics<core_parallel>, #tpu.dimension_semantics<subcore_parallel>], iteration_bounds = array<i64: 2, 16>, scalar_prefetch = 0 : i64, scratch_operands = 10 : i64, tpu.core_type = #tpu.core_type<sc_vector_subcore>, window_params = [{transform_indices = #map}, {transform_indices = #map1}, {transform_indices = #map}]} {
    %mul3A = arith.constant 2 : i32
    %mul3A_0 = arith.muli %arg1, %mul3A : i32
    %add3A = arith.addi %mul3A_0, %arg0 : i32
    %mul3A_1 = arith.constant 512 : i32
    %mul3A_2 = arith.muli %add3A, %mul3A_1 : i32
    "tpu.region"() ({
      %run_scoped3A = tpu.sem_alloc : memref<!tpu.dma_semaphore, #tpu.memory_space<semaphore_mem>>
      %dma_start3A_87 = tpu.memref_slice %arg3[%mul3A_2] : memref<16384xi32, #tpu.memory_space<hbm>> -> memref<512xi32, #tpu.memory_space<hbm>>
      %dma_start3A_88 = tpu.memref_slice %arg3[%mul3A_2] : memref<16384xi32, #tpu.memory_space<hbm>> -> memref<512xi32, #tpu.memory_space<hbm>>
      tpu.enqueue_dma source(%dma_start3A_88 : memref<512xi32, #tpu.memory_space<hbm>>) target(%arg5 : memref<512xi32, #tpu.memory_space<vmem>>) target_semaphore(%run_scoped3A : memref<!tpu.dma_semaphore, #tpu.memory_space<semaphore_mem>>)
      %dma_wait3A_89 = tpu.memref_slice %arg3[%mul3A_2] : memref<16384xi32, #tpu.memory_space<hbm>> -> memref<512xi32, #tpu.memory_space<hbm>>
      %dma_wait3A_90 = tpu.memref_slice %arg3[%mul3A_2] : memref<16384xi32, #tpu.memory_space<hbm>> -> memref<512xi32, #tpu.memory_space<hbm>>
      tpu.wait_dma2 semaphore(%run_scoped3A : memref<!tpu.dma_semaphore, #tpu.memory_space<semaphore_mem>>) src(%dma_wait3A_90 : memref<512xi32, #tpu.memory_space<hbm>>) dst(%arg5 : memref<512xi32, #tpu.memory_space<vmem>>)
      tpu.yield
    }) : () -> ()
    %dma_start3A = arith.constant 0 : i32
    %dma_start3A_3 = tpu.memref_slice %arg5[%dma_start3A] : memref<512xi32, #tpu.memory_space<vmem>> -> memref<128xi32, #tpu.memory_space<vmem>>
    %dma_start3A_4 = arith.constant 0 : i32
    %dma_start3A_5 = arith.constant 0 : i32
    %dma_start3A_6 = tpu.memref_slice %arg2[%dma_start3A_4, %dma_start3A_5] : memref<8192x256xf32, #tpu.memory_space<hbm>> -> memref<8192x256xf32, #tpu.memory_space<hbm>>
    tpu.enqueue_indirect_dma source(%dma_start3A_6 : memref<8192x256xf32, #tpu.memory_space<hbm>>) target(%arg6 : memref<128x256xf32, #tpu.memory_space<vmem>>) offsets(%dma_start3A_3 : memref<128xi32, #tpu.memory_space<vmem>>) semaphore(%arg9 : memref<!tpu.dma_semaphore, #tpu.memory_space<semaphore_mem>>)
    %dma_start3A_7 = arith.constant 128 : i32
    %dma_start3A_8 = tpu.memref_slice %arg5[%dma_start3A_7] : memref<512xi32, #tpu.memory_space<vmem>> -> memref<128xi32, #tpu.memory_space<vmem>>
    %dma_start3A_9 = arith.constant 0 : i32
    %dma_start3A_10 = arith.constant 0 : i32
    %dma_start3A_11 = tpu.memref_slice %arg2[%dma_start3A_9, %dma_start3A_10] : memref<8192x256xf32, #tpu.memory_space<hbm>> -> memref<8192x256xf32, #tpu.memory_space<hbm>>
    tpu.enqueue_indirect_dma source(%dma_start3A_11 : memref<8192x256xf32, #tpu.memory_space<hbm>>) target(%arg7 : memref<128x256xf32, #tpu.memory_space<vmem>>) offsets(%dma_start3A_8 : memref<128xi32, #tpu.memory_space<vmem>>) semaphore(%arg10 : memref<!tpu.dma_semaphore, #tpu.memory_space<semaphore_mem>>)
    %dma_start3A_12 = arith.constant 256 : i32
    %dma_start3A_13 = tpu.memref_slice %arg5[%dma_start3A_12] : memref<512xi32, #tpu.memory_space<vmem>> -> memref<128xi32, #tpu.memory_space<vmem>>
    %dma_start3A_14 = arith.constant 0 : i32
    %dma_start3A_15 = arith.constant 0 : i32
    %dma_start3A_16 = tpu.memref_slice %arg2[%dma_start3A_14, %dma_start3A_15] : memref<8192x256xf32, #tpu.memory_space<hbm>> -> memref<8192x256xf32, #tpu.memory_space<hbm>>
    tpu.enqueue_indirect_dma source(%dma_start3A_16 : memref<8192x256xf32, #tpu.memory_space<hbm>>) target(%arg8 : memref<128x256xf32, #tpu.memory_space<vmem>>) offsets(%dma_start3A_13 : memref<128xi32, #tpu.memory_space<vmem>>) semaphore(%arg11 : memref<!tpu.dma_semaphore, #tpu.memory_space<semaphore_mem>>)
    %dma_wait3A = arith.constant 0 : i32
    %dma_wait3A_17 = tpu.memref_slice %arg5[%dma_wait3A] : memref<512xi32, #tpu.memory_space<vmem>> -> memref<128xi32, #tpu.memory_space<vmem>>
    %dma_wait3A_18 = arith.constant 0 : i32
    %dma_wait3A_19 = arith.constant 0 : i32
    %dma_wait3A_20 = tpu.memref_slice %arg2[%dma_wait3A_18, %dma_wait3A_19] : memref<8192x256xf32, #tpu.memory_space<hbm>> -> memref<8192x256xf32, #tpu.memory_space<hbm>>
    tpu.wait_indirect_dma semaphore(%arg9 : memref<!tpu.dma_semaphore, #tpu.memory_space<semaphore_mem>>) src(%dma_wait3A_20 : memref<8192x256xf32, #tpu.memory_space<hbm>>) dst(%arg6 : memref<128x256xf32, #tpu.memory_space<vmem>>)
    %add3A_21 = arith.constant 0 : i32
    %add3A_22 = arith.addi %mul3A_2, %add3A_21 : i32
    %dma_start3A_23 = arith.constant 0 : i32
    %dma_start3A_24 = tpu.memref_slice %arg4[%add3A_22, %dma_start3A_23] : memref<16384x256xf32, #tpu.memory_space<hbm>> -> memref<128x256xf32, #tpu.memory_space<hbm>>
    %dma_start3A_25 = arith.constant 0 : i32
    %dma_start3A_26 = tpu.memref_slice %arg4[%add3A_22, %dma_start3A_25] : memref<16384x256xf32, #tpu.memory_space<hbm>> -> memref<128x256xf32, #tpu.memory_space<hbm>>
    tpu.enqueue_dma source(%arg6 : memref<128x256xf32, #tpu.memory_space<vmem>>) target(%dma_start3A_26 : memref<128x256xf32, #tpu.memory_space<hbm>>) target_semaphore(%arg12 : memref<!tpu.dma_semaphore, #tpu.memory_space<semaphore_mem>>)
    %dma_wait3A_27 = arith.constant 0 : i32
    %dma_wait3A_28 = tpu.memref_slice %arg4[%add3A_22, %dma_wait3A_27] : memref<16384x256xf32, #tpu.memory_space<hbm>> -> memref<128x256xf32, #tpu.memory_space<hbm>>
    %dma_wait3A_29 = arith.constant 0 : i32
    %dma_wait3A_30 = tpu.memref_slice %arg4[%add3A_22, %dma_wait3A_29] : memref<16384x256xf32, #tpu.memory_space<hbm>> -> memref<128x256xf32, #tpu.memory_space<hbm>>
    tpu.wait_dma2 semaphore(%arg12 : memref<!tpu.dma_semaphore, #tpu.memory_space<semaphore_mem>>) src(%arg6 : memref<128x256xf32, #tpu.memory_space<vmem>>) dst(%dma_wait3A_30 : memref<128x256xf32, #tpu.memory_space<hbm>>)
    %dma_start3A_31 = arith.constant 384 : i32
    %dma_start3A_32 = tpu.memref_slice %arg5[%dma_start3A_31] : memref<512xi32, #tpu.memory_space<vmem>> -> memref<128xi32, #tpu.memory_space<vmem>>
    %dma_start3A_33 = arith.constant 0 : i32
    %dma_start3A_34 = arith.constant 0 : i32
    %dma_start3A_35 = tpu.memref_slice %arg2[%dma_start3A_33, %dma_start3A_34] : memref<8192x256xf32, #tpu.memory_space<hbm>> -> memref<8192x256xf32, #tpu.memory_space<hbm>>
    tpu.enqueue_indirect_dma source(%dma_start3A_35 : memref<8192x256xf32, #tpu.memory_space<hbm>>) target(%arg6 : memref<128x256xf32, #tpu.memory_space<vmem>>) offsets(%dma_start3A_32 : memref<128xi32, #tpu.memory_space<vmem>>) semaphore(%arg9 : memref<!tpu.dma_semaphore, #tpu.memory_space<semaphore_mem>>)
    %dma_wait3A_36 = arith.constant 128 : i32
    %dma_wait3A_37 = tpu.memref_slice %arg5[%dma_wait3A_36] : memref<512xi32, #tpu.memory_space<vmem>> -> memref<128xi32, #tpu.memory_space<vmem>>
    %dma_wait3A_38 = arith.constant 0 : i32
    %dma_wait3A_39 = arith.constant 0 : i32
    %dma_wait3A_40 = tpu.memref_slice %arg2[%dma_wait3A_38, %dma_wait3A_39] : memref<8192x256xf32, #tpu.memory_space<hbm>> -> memref<8192x256xf32, #tpu.memory_space<hbm>>
    tpu.wait_indirect_dma semaphore(%arg10 : memref<!tpu.dma_semaphore, #tpu.memory_space<semaphore_mem>>) src(%dma_wait3A_40 : memref<8192x256xf32, #tpu.memory_space<hbm>>) dst(%arg7 : memref<128x256xf32, #tpu.memory_space<vmem>>)
    %add3A_41 = arith.constant 128 : i32
    %add3A_42 = arith.addi %mul3A_2, %add3A_41 : i32
    %dma_start3A_43 = arith.constant 0 : i32
    %dma_start3A_44 = tpu.memref_slice %arg4[%add3A_42, %dma_start3A_43] : memref<16384x256xf32, #tpu.memory_space<hbm>> -> memref<128x256xf32, #tpu.memory_space<hbm>>
    %dma_start3A_45 = arith.constant 0 : i32
    %dma_start3A_46 = tpu.memref_slice %arg4[%add3A_42, %dma_start3A_45] : memref<16384x256xf32, #tpu.memory_space<hbm>> -> memref<128x256xf32, #tpu.memory_space<hbm>>
    tpu.enqueue_dma source(%arg7 : memref<128x256xf32, #tpu.memory_space<vmem>>) target(%dma_start3A_46 : memref<128x256xf32, #tpu.memory_space<hbm>>) target_semaphore(%arg13 : memref<!tpu.dma_semaphore, #tpu.memory_space<semaphore_mem>>)
    %dma_wait3A_47 = arith.constant 256 : i32
    %dma_wait3A_48 = tpu.memref_slice %arg5[%dma_wait3A_47] : memref<512xi32, #tpu.memory_space<vmem>> -> memref<128xi32, #tpu.memory_space<vmem>>
    %dma_wait3A_49 = arith.constant 0 : i32
    %dma_wait3A_50 = arith.constant 0 : i32
    %dma_wait3A_51 = tpu.memref_slice %arg2[%dma_wait3A_49, %dma_wait3A_50] : memref<8192x256xf32, #tpu.memory_space<hbm>> -> memref<8192x256xf32, #tpu.memory_space<hbm>>
    tpu.wait_indirect_dma semaphore(%arg11 : memref<!tpu.dma_semaphore, #tpu.memory_space<semaphore_mem>>) src(%dma_wait3A_51 : memref<8192x256xf32, #tpu.memory_space<hbm>>) dst(%arg8 : memref<128x256xf32, #tpu.memory_space<vmem>>)
    %add3A_52 = arith.constant 256 : i32
    %add3A_53 = arith.addi %mul3A_2, %add3A_52 : i32
    %dma_start3A_54 = arith.constant 0 : i32
    %dma_start3A_55 = tpu.memref_slice %arg4[%add3A_53, %dma_start3A_54] : memref<16384x256xf32, #tpu.memory_space<hbm>> -> memref<128x256xf32, #tpu.memory_space<hbm>>
    %dma_start3A_56 = arith.constant 0 : i32
    %dma_start3A_57 = tpu.memref_slice %arg4[%add3A_53, %dma_start3A_56] : memref<16384x256xf32, #tpu.memory_space<hbm>> -> memref<128x256xf32, #tpu.memory_space<hbm>>
    tpu.enqueue_dma source(%arg8 : memref<128x256xf32, #tpu.memory_space<vmem>>) target(%dma_start3A_57 : memref<128x256xf32, #tpu.memory_space<hbm>>) target_semaphore(%arg14 : memref<!tpu.dma_semaphore, #tpu.memory_space<semaphore_mem>>)
    %dma_wait3A_58 = arith.constant 384 : i32
    %dma_wait3A_59 = tpu.memref_slice %arg5[%dma_wait3A_58] : memref<512xi32, #tpu.memory_space<vmem>> -> memref<128xi32, #tpu.memory_space<vmem>>
    %dma_wait3A_60 = arith.constant 0 : i32
    %dma_wait3A_61 = arith.constant 0 : i32
    %dma_wait3A_62 = tpu.memref_slice %arg2[%dma_wait3A_60, %dma_wait3A_61] : memref<8192x256xf32, #tpu.memory_space<hbm>> -> memref<8192x256xf32, #tpu.memory_space<hbm>>
    tpu.wait_indirect_dma semaphore(%arg9 : memref<!tpu.dma_semaphore, #tpu.memory_space<semaphore_mem>>) src(%dma_wait3A_62 : memref<8192x256xf32, #tpu.memory_space<hbm>>) dst(%arg6 : memref<128x256xf32, #tpu.memory_space<vmem>>)
    %add3A_63 = arith.constant 384 : i32
    %add3A_64 = arith.addi %mul3A_2, %add3A_63 : i32
    %dma_start3A_65 = arith.constant 0 : i32
    %dma_start3A_66 = tpu.memref_slice %arg4[%add3A_64, %dma_start3A_65] : memref<16384x256xf32, #tpu.memory_space<hbm>> -> memref<128x256xf32, #tpu.memory_space<hbm>>
    %dma_start3A_67 = arith.constant 0 : i32
    %dma_start3A_68 = tpu.memref_slice %arg4[%add3A_64, %dma_start3A_67] : memref<16384x256xf32, #tpu.memory_space<hbm>> -> memref<128x256xf32, #tpu.memory_space<hbm>>
    tpu.enqueue_dma source(%arg6 : memref<128x256xf32, #tpu.memory_space<vmem>>) target(%dma_start3A_68 : memref<128x256xf32, #tpu.memory_space<hbm>>) target_semaphore(%arg12 : memref<!tpu.dma_semaphore, #tpu.memory_space<semaphore_mem>>)
    %add3A_69 = arith.constant 128 : i32
    %add3A_70 = arith.addi %mul3A_2, %add3A_69 : i32
    %dma_wait3A_71 = arith.constant 0 : i32
    %dma_wait3A_72 = tpu.memref_slice %arg4[%add3A_70, %dma_wait3A_71] : memref<16384x256xf32, #tpu.memory_space<hbm>> -> memref<128x256xf32, #tpu.memory_space<hbm>>
    %dma_wait3A_73 = arith.constant 0 : i32
    %dma_wait3A_74 = tpu.memref_slice %arg4[%add3A_70, %dma_wait3A_73] : memref<16384x256xf32, #tpu.memory_space<hbm>> -> memref<128x256xf32, #tpu.memory_space<hbm>>
    tpu.wait_dma2 semaphore(%arg13 : memref<!tpu.dma_semaphore, #tpu.memory_space<semaphore_mem>>) src(%arg7 : memref<128x256xf32, #tpu.memory_space<vmem>>) dst(%dma_wait3A_74 : memref<128x256xf32, #tpu.memory_space<hbm>>)
    %add3A_75 = arith.constant 256 : i32
    %add3A_76 = arith.addi %mul3A_2, %add3A_75 : i32
    %dma_wait3A_77 = arith.constant 0 : i32
    %dma_wait3A_78 = tpu.memref_slice %arg4[%add3A_76, %dma_wait3A_77] : memref<16384x256xf32, #tpu.memory_space<hbm>> -> memref<128x256xf32, #tpu.memory_space<hbm>>
    %dma_wait3A_79 = arith.constant 0 : i32
    %dma_wait3A_80 = tpu.memref_slice %arg4[%add3A_76, %dma_wait3A_79] : memref<16384x256xf32, #tpu.memory_space<hbm>> -> memref<128x256xf32, #tpu.memory_space<hbm>>
    tpu.wait_dma2 semaphore(%arg14 : memref<!tpu.dma_semaphore, #tpu.memory_space<semaphore_mem>>) src(%arg8 : memref<128x256xf32, #tpu.memory_space<vmem>>) dst(%dma_wait3A_80 : memref<128x256xf32, #tpu.memory_space<hbm>>)
    %add3A_81 = arith.constant 384 : i32
    %add3A_82 = arith.addi %mul3A_2, %add3A_81 : i32
    %dma_wait3A_83 = arith.constant 0 : i32
    %dma_wait3A_84 = tpu.memref_slice %arg4[%add3A_82, %dma_wait3A_83] : memref<16384x256xf32, #tpu.memory_space<hbm>> -> memref<128x256xf32, #tpu.memory_space<hbm>>
    %dma_wait3A_85 = arith.constant 0 : i32
    %dma_wait3A_86 = tpu.memref_slice %arg4[%add3A_82, %dma_wait3A_85] : memref<16384x256xf32, #tpu.memory_space<hbm>> -> memref<128x256xf32, #tpu.memory_space<hbm>>
    tpu.wait_dma2 semaphore(%arg12 : memref<!tpu.dma_semaphore, #tpu.memory_space<semaphore_mem>>) src(%arg6 : memref<128x256xf32, #tpu.memory_space<vmem>>) dst(%dma_wait3A_86 : memref<128x256xf32, #tpu.memory_space<hbm>>)
    return
  }
}

module attributes {stable_mosaic.version = 14 : i64} {
  func.func @_emb_body(%arg0: i32, %arg1: memref<2048x1xf32, #tpu.memory_space<vmem>>, %arg2: memref<2048x256xf32, #tpu.memory_space<vmem>>, %arg3: memref<2048x256xf32, #tpu.memory_space<vmem>>, %arg4: memref<2048x256xf32, #tpu.memory_space<vmem>>, %arg5: memref<2048x1xf32, #tpu.memory_space<vmem>>) attributes {dimension_semantics = [#tpu.dimension_semantics<arbitrary>], iteration_bounds = array<i64: 4>, scalar_prefetch = 0 : i64, scratch_operands = 0 : i64, tpu.core_type = #tpu.core_type<tc>, window_params = [{transform_indices = @transform_0, window_bounds = array<i64: 2048, 1>}, {transform_indices = @transform_1, window_bounds = array<i64: 2048, 256>}, {transform_indices = @transform_2, window_bounds = array<i64: 2048, 256>}, {transform_indices = @transform_3, window_bounds = array<i64: 2048, 256>}, {transform_indices = @transform_4, window_bounds = array<i64: 2048, 1>}]} {
    %get3A = arith.constant 0 : index
    %get3A_0 = arith.constant 0 : index
    %get3A_1 = vector.load %arg1[%get3A, %get3A_0] : memref<2048x1xf32, #tpu.memory_space<vmem>>, vector<2048x1xf32>
    %jit3A = arith.constant 9.99999974E-6 : f32
    %max3A = vector.broadcast %jit3A : f32 to vector<2048x1xf32>
    %max3A_2 = arith.maximumf %max3A, %get3A_1 : vector<2048x1xf32>
    %get3A_3 = arith.constant 0 : index
    %get3A_4 = arith.constant 0 : index
    %get3A_5 = vector.load %arg2[%get3A_3, %get3A_4] : memref<2048x256xf32, #tpu.memory_space<vmem>>, vector<2048x256xf32>
    %div3A = vector.broadcast %max3A_2 : vector<2048x1xf32> to vector<2048x256xf32>
    %div3A_6 = arith.divf %get3A_5, %div3A : vector<2048x256xf32>
    %swap3A = arith.constant 0 : index
    %swap3A_7 = arith.constant 0 : index
    %swap3A_8 = vector.load %arg3[%swap3A, %swap3A_7] : memref<2048x256xf32, #tpu.memory_space<vmem>>, vector<2048x256xf32>
    tpu.vector_store %arg3[%swap3A, %swap3A_7], %div3A_6 {strides = array<i32>} : memref<2048x256xf32, #tpu.memory_space<vmem>>, vector<2048x256xf32>,
    %add3A = arith.addf %div3A_6, %div3A_6 : vector<2048x256xf32>
    %swap3A_9 = arith.constant 0 : index
    %swap3A_10 = arith.constant 0 : index
    %swap3A_11 = vector.load %arg4[%swap3A_9, %swap3A_10] : memref<2048x256xf32, #tpu.memory_space<vmem>>, vector<2048x256xf32>
    tpu.vector_store %arg4[%swap3A_9, %swap3A_10], %add3A {strides = array<i32>} : memref<2048x256xf32, #tpu.memory_space<vmem>>, vector<2048x256xf32>,
    %mul3A = arith.mulf %div3A_6, %div3A_6 : vector<2048x256xf32>
    %reduce_sum3A = arith.constant dense<0.000000e+00> : vector<2048xf32>
    %reduce_sum3A_12 = vector.multi_reduction <add>, %mul3A, %reduce_sum3A [1] : vector<2048x256xf32> to vector<2048xf32>
    %broadcast_in_dim3A = vector.shape_cast %reduce_sum3A_12 : vector<2048xf32> to vector<2048x1xf32>
    %swap3A_13 = arith.constant 0 : index
    %swap3A_14 = arith.constant 0 : index
    %swap3A_15 = vector.load %arg5[%swap3A_13, %swap3A_14] : memref<2048x1xf32, #tpu.memory_space<vmem>>, vector<2048x1xf32>
    tpu.vector_store %arg5[%swap3A_13, %swap3A_14], %broadcast_in_dim3A {strides = array<i32>} : memref<2048x1xf32, #tpu.memory_space<vmem>>, vector<2048x1xf32>,
    return
  }
  func.func @transform_0(%arg0: i32) -> (i32, i32) {
    %c0_i32 = arith.constant 0 : i32
    %c0_i32_0 = arith.constant 0 : i32
    return %arg0, %c0_i32 : i32, i32
  }
  func.func @transform_1(%arg0: i32) -> (i32, i32) {
    %c0_i32 = arith.constant 0 : i32
    %c0_i32_0 = arith.constant 0 : i32
    return %arg0, %c0_i32 : i32, i32
  }
  func.func @transform_2(%arg0: i32) -> (i32, i32) {
    %c0_i32 = arith.constant 0 : i32
    %c0_i32_0 = arith.constant 0 : i32
    return %arg0, %c0_i32 : i32, i32
  }
  func.func @transform_3(%arg0: i32) -> (i32, i32) {
    %c0_i32 = arith.constant 0 : i32
    %c0_i32_0 = arith.constant 0 : i32
    return %arg0, %c0_i32 : i32, i32
  }
  func.func @transform_4(%arg0: i32) -> (i32, i32) {
    %c0_i32 = arith.constant 0 : i32
    %c0_i32_0 = arith.constant 0 : i32
    return %arg0, %c0_i32 : i32, i32
  }
}

module attributes {stable_mosaic.version = 14 : i64} {
  func.func @_argmin_body(%arg0: i32, %arg1: memref<256x256xf32, #tpu.memory_space<vmem>>, %arg2: memref<8192x256xf32, #tpu.memory_space<vmem>>, %arg3: memref<1x8192xf32, #tpu.memory_space<vmem>>, %arg4: memref<1x8192xf32, #tpu.memory_space<vmem>>, %arg5: memref<256x1xi32, #tpu.memory_space<vmem>>) attributes {dimension_semantics = [#tpu.dimension_semantics<arbitrary>], iteration_bounds = array<i64: 64>, scalar_prefetch = 0 : i64, scratch_operands = 0 : i64, tpu.core_type = #tpu.core_type<tc>, window_params = [{transform_indices = @transform_0, window_bounds = array<i64: 256, 256>}, {pipeline_mode = #tpu.pipeline_mode<synchronous>, transform_indices = @transform_1, window_bounds = array<i64: 8192, 256>}, {pipeline_mode = #tpu.pipeline_mode<synchronous>, transform_indices = @transform_2, window_bounds = array<i64: 1, 8192>}, {pipeline_mode = #tpu.pipeline_mode<synchronous>, transform_indices = @transform_3, window_bounds = array<i64: 1, 8192>}, {transform_indices = @transform_4, window_bounds = array<i64: 256, 1>}]} {
    %get3A = arith.constant 0 : index
    %get3A_0 = arith.constant 0 : index
    %get3A_1 = vector.load %arg1[%get3A, %get3A_0] : memref<256x256xf32, #tpu.memory_space<vmem>>, vector<256x256xf32>
    %mul3A = arith.mulf %get3A_1, %get3A_1 : vector<256x256xf32>
    %reduce_sum3A = arith.constant dense<0.000000e+00> : vector<256xf32>
    %reduce_sum3A_2 = vector.multi_reduction <add>, %mul3A, %reduce_sum3A [1] : vector<256x256xf32> to vector<256xf32>
    %broadcast_in_dim3A = vector.shape_cast %reduce_sum3A_2 : vector<256xf32> to vector<256x1xf32>
    %get3A_3 = arith.constant 0 : index
    %get3A_4 = arith.constant 0 : index
    %get3A_5 = vector.load %arg2[%get3A_3, %get3A_4] : memref<8192x256xf32, #tpu.memory_space<vmem>>, vector<8192x256xf32>
    %dot_general3A = arith.constant dense<0.000000e+00> : vector<256x8192xf32>
    %dot_general3A_6 = tpu.matmul %get3A_1, %get3A_5, %dot_general3A {dimension_numbers = #tpu.dot_dimension_numbers<[1], [1], [0], [0], [0, 0, 1, 0], [], []>, transpose_lhs_hint = false} : vector<256x256xf32>, vector<8192x256xf32>, vector<256x8192xf32> -> vector<256x8192xf32>
    %get3A_7 = arith.constant 0 : index
    %get3A_8 = arith.constant 0 : index
    %get3A_9 = vector.load %arg3[%get3A_7, %get3A_8] : memref<1x8192xf32, #tpu.memory_space<vmem>>, vector<1x8192xf32>
    %add3A = vector.broadcast %broadcast_in_dim3A : vector<256x1xf32> to vector<256x8192xf32>
    %add3A_10 = vector.broadcast %get3A_9 : vector<1x8192xf32> to vector<256x8192xf32>
    %add3A_11 = arith.addf %add3A, %add3A_10 : vector<256x8192xf32>
    %sub3A = arith.subf %add3A_11, %dot_general3A_6 : vector<256x8192xf32>
    %reduce_min3A = arith.constant dense<0x7F800000> : vector<256xf32>
    %reduce_min3A_12 = vector.multi_reduction <minimumf>, %sub3A, %reduce_min3A [1] : vector<256x8192xf32> to vector<256xf32>
    %broadcast_in_dim3A_13 = vector.shape_cast %reduce_min3A_12 : vector<256xf32> to vector<256x1xf32>
    %sqrt3A = math.sqrt %broadcast_in_dim3A_13 : vector<256x1xf32>
    %bitcast_convert_type3A = tpu.bitcast %sqrt3A : vector<256x1xf32> -> vector<256x1xi32>
    %add3A_14 = arith.constant 1 : i32
    %add3A_15 = vector.broadcast %add3A_14 : i32 to vector<256x1xi32>
    %add3A_16 = arith.addi %bitcast_convert_type3A, %add3A_15 : vector<256x1xi32>
    %bitcast_convert_type3A_17 = tpu.bitcast %add3A_16 : vector<256x1xi32> -> vector<256x1xf32>
    %sub3A_18 = arith.subf %bitcast_convert_type3A_17, %sqrt3A : vector<256x1xf32>
    %mul3A_19 = arith.constant 5.000000e-01 : f32
    %mul3A_20 = vector.broadcast %mul3A_19 : f32 to vector<256x1xf32>
    %mul3A_21 = arith.mulf %mul3A_20, %sub3A_18 : vector<256x1xf32>
    %mul3A_22 = arith.constant 4.097000e+03 : f32
    %mul3A_23 = vector.broadcast %mul3A_22 : f32 to vector<256x1xf32>
    %mul3A_24 = arith.mulf %sqrt3A, %mul3A_23 : vector<256x1xf32>
    %sub3A_25 = arith.subf %mul3A_24, %sqrt3A : vector<256x1xf32>
    %sub3A_26 = arith.subf %mul3A_24, %sub3A_25 : vector<256x1xf32>
    %sub3A_27 = arith.subf %sqrt3A, %sub3A_26 : vector<256x1xf32>
    %mul3A_28 = arith.mulf %sqrt3A, %sqrt3A : vector<256x1xf32>
    %mul3A_29 = arith.mulf %sub3A_26, %sub3A_26 : vector<256x1xf32>
    %sub3A_30 = arith.subf %mul3A_29, %mul3A_28 : vector<256x1xf32>
    %mul3A_31 = arith.mulf %sub3A_26, %sub3A_27 : vector<256x1xf32>
    %mul3A_32 = arith.constant 2.000000e+00 : f32
    %mul3A_33 = vector.broadcast %mul3A_32 : f32 to vector<256x1xf32>
    %mul3A_34 = arith.mulf %mul3A_33, %mul3A_31 : vector<256x1xf32>
    %add3A_35 = arith.addf %sub3A_30, %mul3A_34 : vector<256x1xf32>
    %mul3A_36 = arith.mulf %sub3A_27, %sub3A_27 : vector<256x1xf32>
    %add3A_37 = arith.addf %add3A_35, %mul3A_36 : vector<256x1xf32>
    %mul3A_38 = arith.mulf %sqrt3A, %sub3A_18 : vector<256x1xf32>
    %add3A_39 = arith.addf %add3A_37, %mul3A_38 : vector<256x1xf32>
    %mul3A_40 = arith.mulf %mul3A_21, %mul3A_21 : vector<256x1xf32>
    %add3A_41 = arith.addf %add3A_39, %mul3A_40 : vector<256x1xf32>
    %add3A_42 = arith.addf %mul3A_28, %add3A_41 : vector<256x1xf32>
    %sub3A_43 = arith.subf %mul3A_28, %add3A_42 : vector<256x1xf32>
    %add3A_44 = arith.addf %sub3A_43, %add3A_41 : vector<256x1xf32>
    %bitcast_convert_type3A_45 = tpu.bitcast %add3A_42 : vector<256x1xf32> -> vector<256x1xi32>
    %sub3A_46 = arith.constant 1 : i32
    %sub3A_47 = vector.broadcast %sub3A_46 : i32 to vector<256x1xi32>
    %sub3A_48 = arith.subi %bitcast_convert_type3A_45, %sub3A_47 : vector<256x1xi32>
    %bitcast_convert_type3A_49 = tpu.bitcast %sub3A_48 : vector<256x1xi32> -> vector<256x1xf32>
    %ge3A = arith.constant 0.000000e+00 : f32
    %ge3A_50 = vector.broadcast %ge3A : f32 to vector<256x1xf32>
    %ge3A_51 = arith.cmpf oge, %add3A_44, %ge3A_50 : vector<256x1xf32>
    %select_n3A = arith.select %ge3A_51, %add3A_42, %bitcast_convert_type3A_49 : vector<256x1xi1>, vector<256x1xf32>
    %max3A = arith.maximumf %select_n3A, %broadcast_in_dim3A_13 : vector<256x1xf32>
    %le3A = vector.broadcast %max3A : vector<256x1xf32> to vector<256x8192xf32>
    %le3A_52 = arith.cmpf ole, %sub3A, %le3A : vector<256x8192xf32>
    %get3A_53 = arith.constant 0 : index
    %get3A_54 = arith.constant 0 : index
    %get3A_55 = vector.load %arg4[%get3A_53, %get3A_54] : memref<1x8192xf32, #tpu.memory_space<vmem>>, vector<1x8192xf32>
    %jit3A = arith.constant 3.000000e+38 : f32
    %broadcast_in_dim3A_56 = vector.shape_cast %get3A_55 : vector<1x8192xf32> to vector<1x8192xf32>
    %broadcast_in_dim3A_57 = vector.broadcast %broadcast_in_dim3A_56 : vector<1x8192xf32> to vector<256x8192xf32>
    %broadcast_in_dim3A_58 = vector.broadcast %jit3A : f32 to vector<256x8192xf32>
    %select_n3A_59 = arith.select %le3A_52, %broadcast_in_dim3A_57, %broadcast_in_dim3A_58 : vector<256x8192xi1>, vector<256x8192xf32>
    %reduce_min3A_60 = arith.constant dense<0x7F800000> : vector<256xf32>
    %reduce_min3A_61 = vector.multi_reduction <minimumf>, %select_n3A_59, %reduce_min3A_60 [1] : vector<256x8192xf32> to vector<256xf32>
    %broadcast_in_dim3A_62 = vector.shape_cast %reduce_min3A_61 : vector<256xf32> to vector<256x1xf32>
    %convert_element_type3A = arith.fptosi %broadcast_in_dim3A_62 : vector<256x1xf32> to vector<256x1xi32>
    %swap3A = arith.constant 0 : index
    %swap3A_63 = arith.constant 0 : index
    %swap3A_64 = vector.load %arg5[%swap3A, %swap3A_63] : memref<256x1xi32, #tpu.memory_space<vmem>>, vector<256x1xi32>
    tpu.vector_store %arg5[%swap3A, %swap3A_63], %convert_element_type3A {strides = array<i32>} : memref<256x1xi32, #tpu.memory_space<vmem>>, vector<256x1xi32>,
    return
  }
  func.func @transform_0(%arg0: i32) -> (i32, i32) {
    %c0_i32 = arith.constant 0 : i32
    %c0_i32_0 = arith.constant 0 : i32
    return %arg0, %c0_i32 : i32, i32
  }
  func.func @transform_1(%arg0: i32) -> (i32, i32) {
    %c0_i32 = arith.constant 0 : i32
    %c0_i32_0 = arith.constant 0 : i32
    %c0_i32_1 = arith.constant 0 : i32
    return %c0_i32, %c0_i32_0 : i32, i32
  }
  func.func @transform_2(%arg0: i32) -> (i32, i32) {
    %c0_i32 = arith.constant 0 : i32
    %c0_i32_0 = arith.constant 0 : i32
    %c0_i32_1 = arith.constant 0 : i32
    return %c0_i32, %c0_i32_0 : i32, i32
  }
  func.func @transform_3(%arg0: i32) -> (i32, i32) {
    %c0_i32 = arith.constant 0 : i32
    %c0_i32_0 = arith.constant 0 : i32
    %c0_i32_1 = arith.constant 0 : i32
    return %c0_i32, %c0_i32_0 : i32, i32
  }
  func.func @transform_4(%arg0: i32) -> (i32, i32) {
    %c0_i32 = arith.constant 0 : i32
    %c0_i32_0 = arith.constant 0 : i32
    return %arg0, %c0_i32 : i32, i32
  }
}

</mosaic_0001>

<sc_bundles>
// kernel: kernel.5.cloned.1.call-start
scs
__scs_entry_jumppad:
0x0: {  	(pc) =	sbr.rel $0x88, $3  }
0x1: {  	(tag) =	ssettag $0x0;
	lr =	simm.s32 $0x1  }
0x2: {  	[smem:$0x3F9E] =	sst lr;
	_ =	strace $0xD0000000  }
0x3: {  	_ = 	snop  }
0x4: {  	_ = 	snop  }
0x5: {  	_ = 	snop  }
0x6: {  	_ = 	snop  }
0x7: {  	_ = 	snop  }
__scs_overlays_trampoline_lowered:
0x8: {  	[smem:$0x3FAD] =	sst s0  }
0x9: {  	[smem:$0x3FAE] =	sst s1  }
0xa: {  	[smem:$0x3FAF] =	sst s2  }
0xb: {  	[smem:$0x3FB0] =	sst s3  }
0xc: {  	[smem:$0x3FB1] =	sst s4  }
0xd: {  	[smem:$0x3FB2] =	sst s5  }
0xe: {  	[smem:$0x3FB3] =	sst s6  }
0xf: {  	[smem:$0x3FB4] =	sst s7  }
0x10: {  	[smem:$0x3FB5] =	sst s8  }
0x11: {  	[smem:$0x3FB6] =	sst s9;
	s0 =	simm.s32 @!p0 $0x0  }
0x12: {  	s1 =	sld [smem:$0x3F9C];
	s0 =	simm.s32 @p0 $0x1  }
0x13: {  	[smem:$0x3FB7] =	sst s0;
	s0 =	simm.s32 @!p1 $0x0  }
0x14: {  	s2 =	sld [smem:$0x3F9B];
	s0 =	simm.s32 @p1 $0x1  }
0x15: {  	[smem:$0x3FB8] =	sst s0;
	s0 =	simm.s32 @!p2 $0x0  }
0x16: {  	s3 =	sld [smem:$0x3FDB];
	s0 =	simm.s32 @p2 $0x1  }
0x17: {  	s4 =	simm.s32 $0x1BF5;
	[smem:$0x3FBA] =	sst s0  }
0x18: {  	s0 =	sld [smem:$0x3F9D];
	_ =	swait.ge [sflag:s4], $0x0  }
0x19: {  	s7 =	sld [smem:$0x3F9E]  }
0x1a: {  	s8 =	sadd.s32 $0xFFFFE003, lr  }
0x1b: {  	s9 =	sadd.s32 $0xFFFFFEF7, lr;
	s5 =	simm.s32 $0xFFFFFFFF;
	p2 =	slt.u32 s8, $0xFFFFF086  }
0x1c: {  	p1 =	slt.u32 s9, $0xF7A;
	s5 =	simm.s32 @!p2 $0x0  }
0x1d: {  	s5 =	simm.s32 @p1 $0x1;
	p0 =	seq.s32 s7, s2  }
0x1e: {  	s7 =	smul.u32 @!p0 $0xF7A, s2;
	p2 =	seq.s32 @!p0 s5, $0x0  }
0x1f: {  	s9 =	smul.u32 $0xF7A, s1;
	s8 =	simm.s32 @!p0 $0x1BF5;
	p2 =	por !p2, p0  }
0x20: {  	[sflag:s8] =	ssyncset.s32 @!p0 $0xFFFFF086;
	s6 =	sadd.s32 @!p0 s3, s7;
	s7 =	simm.s32 @!p0 $0x108  }
0x21: {  	s3 =	sadd.s32 s3, s9;
	s6 =	sadd.s32 @!p0 $0x88, s6;
	s7 =	simm.s32 @p2 $0x1082  }
0x22: {  	[simem:s7], [sflag:s8] =	dma.local @!p0 [hbm:s6], $0xF7A  }
0x23: {  	s9 =	sor.u32 $0xD0000000, s2;
	s6 =	simm.s32 $0x108;
	_ =	swait.ge @!p0 [sflag:s8], $0x0  }
0x24: {  	s3 =	sadd.s32 $0x88, s3;
	s6 =	simm.s32 @!p1 $0x1082;
	[sflag:s4] =	ssyncset.s32 $0xFFFFF086  }
0x25: {  	[simem:s6], [sflag:s4] =	dma.local [hbm:s3], $0xF7A  }
0x26: {  	[smem:$0x3F9E] =	sst s1;
	(tag) =	ssettag s2;
	_ =	strace s9  }
0x27: {  	s1 =	sld [smem:$0x3FAE]  }
0x28: {  	s2 =	sld [smem:$0x3FAF]  }
0x29: {  	s4 =	sld [smem:$0x3FB1]  }
0x2a: {  	p0 =	seq.s32 s5, $0x0;
	s5 =	sld [smem:$0x3FB2]  }
0x2b: {  	s6 =	sld [smem:$0x3FB3]  }
0x2c: {  	s7 =	sld [smem:$0x3FB4]  }
0x2d: {  	s3 =	simm.s32 $0x108;
	s8 =	sld [smem:$0x3FB5]  }
0x2e: {  	s3 =	simm.s32 @!p0 $0x1082;
	s9 =	sld [smem:$0x3FB6]  }
0x2f: {  	lr =	sadd.s32 s0, s3;
	s0 =	sld [smem:$0x3FAD]  }
0x30: {  	s3 =	sld [smem:$0x3FB0]  }
0x31: {  	[smem:$0x3FB9] =	sst s10  }
0x32: {  	s10 =	sld [smem:$0x3FB7];
	_ =	sdelay $0x3  }
0x33: {  	p0 =	seq.s32 s10, $0x1;
	s10 =	sld [smem:$0x3FB9];
	_ =	sdelay $0x3  }
0x34: {  	[smem:$0x3FB9] =	sst s10  }
0x35: {  	s10 =	sld [smem:$0x3FB8];
	_ =	sdelay $0x3  }
0x36: {  	p1 =	seq.s32 s10, $0x1;
	s10 =	sld [smem:$0x3FB9];
	_ =	sdelay $0x3  }
0x37: {  	[smem:$0x3FB9] =	sst s10  }
0x38: {  	s10 =	sld [smem:$0x3FBA]  }
0x39: {  	_ = 	snop;
	(pc) =	sbr.ind lr, $3  }
0x3a: {  	_ = 	snop  }
0x3b: {  	_ = 	snop  }
0x3c: {  	p2 =	seq.s32 s10, $0x1;
	s10 =	sld [smem:$0x3FB9]  }
0x3d: {  	_ =	shalt  }
0x3e: {  	_ =	shalt  }
0x3f: {  	_ =	shalt  }
0x40: {  	_ =	shalt  }
0x41: {  	_ =	shalt  }
0x42: {  	_ =	shalt  }
0x43: {  	_ =	shalt  }
0x44: {  	_ =	shalt  }
0x45: {  	_ =	shalt  }
0x46: {  	_ =	shalt  }
0x47: {  	_ =	shalt  }
0x48: {  	_ =	shalt  }
0x49: {  	_ =	shalt  }
0x4a: {  	_ =	shalt  }
0x4b: {  	_ =	shalt  }
0x4c: {  	_ =	shalt  }
0x4d: {  	_ =	shalt  }
0x4e: {  	_ =	shalt  }
0x4f: {  	_ =	shalt  }
0x50: {  	_ =	shalt  }
0x51: {  	_ =	shalt  }
0x52: {  	_ =	shalt  }
0x53: {  	_ =	shalt  }
0x54: {  	_ =	shalt  }
0x55: {  	_ =	shalt  }
0x56: {  	_ =	shalt  }
0x57: {  	_ =	shalt  }
0x58: {  	_ =	shalt  }
0x59: {  	_ =	shalt  }
0x5a: {  	_ =	shalt  }
0x5b: {  	_ =	shalt  }
0x5c: {  	_ =	shalt  }
0x5d: {  	_ =	shalt  }
0x5e: {  	_ =	shalt  }
0x5f: {  	_ =	shalt  }
0x60: {  	_ =	shalt  }
0x61: {  	_ =	shalt  }
0x62: {  	_ =	shalt  }
0x63: {  	_ =	shalt  }
0x64: {  	_ =	shalt  }
0x65: {  	_ =	shalt  }
0x66: {  	_ =	shalt  }
0x67: {  	_ =	shalt  }
0x68: {  	_ =	shalt  }
0x69: {  	_ =	shalt  }
0x6a: {  	_ =	shalt  }
0x6b: {  	_ =	shalt  }
0x6c: {  	_ =	shalt  }
0x6d: {  	_ =	shalt  }
0x6e: {  	_ =	shalt  }
0x6f: {  	_ =	shalt  }
0x70: {  	_ =	shalt  }
0x71: {  	_ =	shalt  }
0x72: {  	_ =	shalt  }
0x73: {  	_ =	shalt  }
0x74: {  	_ =	shalt  }
0x75: {  	_ =	shalt  }
0x76: {  	_ =	shalt  }
0x77: {  	_ =	shalt  }
0x78: {  	_ =	shalt  }
0x79: {  	_ =	shalt  }
0x7a: {  	_ =	shalt  }
0x7b: {  	_ =	shalt  }
0x7c: {  	_ =	shalt  }
0x7d: {  	_ =	shalt  }
0x7e: {  	_ =	shalt  }
0x7f: {  	_ =	shalt  }
0x80: {  	_ =	shalt  }
0x81: {  	_ =	shalt  }
0x82: {  	_ =	shalt  }
0x83: {  	_ =	shalt  }
0x84: {  	_ =	shalt  }
0x85: {  	_ =	shalt  }
0x86: {  	_ =	shalt  }
0x87: {  	_ =	shalt  }
.Lfunc_end0:
.L_simem_size_0:
called_computation_lowered:
.L_overlay_start_0:
0x88: {  	s2 =	sld [smem:$0x3FD9]  }
0x89: {  	s3 =	sld [smem:$0x3FFE];
	_ =	sdelay $0x1  }
0x8a: {  	s1 =	srdreg.scid  }
0x8b: {  	s0 =	sand.u32 $0x1, s1  }
0x8c: {  	s17 =	sshll.u32 s0, $0xA;
	s2 =	sadd.s32 s3, s2  }
0x8d: {  	s2 =	sadd.s32 s2, s17  }
0x8e: {  	[smem:$0x3FC5] =	sst s2  }
0x8f: {  	_ = 	snop  }
0x90: {  	s2 =	sld [smem:$0x3FD0];
	(tm) =	ssettm $0x1  }
0x91: {  	s18 =	sld [smem:$0x3FFB];
	_ =	sdelay $0x3  }
0x92: {  	_ =	strace s18  }
0x93: {  	s3 =	sld [smem:$0x3FFC];
	_ =	sdelay $0x3  }
0x94: {  	_ =	strace s3  }
0x95: {  	s3 =	sld [smem:$0x3FFD];
	_ =	sdelay $0x3  }
0x96: {  	_ =	strace s3  }
0x97: {  	_ =	strace $0x8FFFFFFF  }
0x98: {  	s19 =	sld [smem:$0x3FDB];
	_ =	sdelay $0x1  }
0x99: {  	s4 =	simm.s32 $_scs_section_size  }
0x9a: {  	s5 =	simm.s32 $_size__tile_overlayer_lowered;
	s6 =	simm.s32 $_tile_overlayer_lowered  }
0x9b: {  	s22 =	simm.s32 $0x1BFF;
	s21 =	sshll.u32 s6, $0x1;
	s3 =	sadd.s32 s4, s19  }
0x9c: {  	s7 =	simm.s32 $0x0;
	s20 =	sshll.u32 s5, $0x1;
	s5 =	sadd.s32 s21, s3  }
0x9d: {  	[timem:s7], [sflag:s22] =	dma.local [hbm:s5], s20  }
0x9e: {  	_ =	swait.ge [sflag:s22], s20  }
0x9f: {  	s4 =	ssub.s32 $0x0, s20;
	[sflag:s22] =	ssyncset.done $0x0  }
0xa0: {  	[sflag:s22] =	ssyncadd.s32 s4;
	_ =	sdelay $0x1  }
0xa1: {  	s23 =	simm.s32 $0x1B8B  }
0xa2: {  	_ =	swait.ge [sflag:s23], $0x1  }
0xa3: {  	[sflag:s23] =	ssyncset.done $0x0  }
0xa4: {  	s25 =	simm.s32 $0x1B8E;
	s24 =	sld [smem:$0x3FFE];
	[sflag:s23] =	ssyncadd.s32 $0xFFFFFFFF  }
0xa5: {  	s26 =	simm.s32 $execute0_lowered;
	[smem:$0x3FD2] =	sst s25  }
0xa6: {  	s5 =	sshll.u32 s26, $0x1;
	_ =	strace $0x80000046;
	[dreg:$0x1] =	wrdreg $0xFFFFFFFF  }
0xa7: {  	s28 =	simm.s32 $_size_execute0_lowered;
	s3 =	sadd.s32 s3, s5;
	[dreg:$0x0] =	wrdreg $0x0  }
0xa8: {  	s5 =	sshll.u32 s28, $0x1;
	[dreg:$0x2] =	wrdreg s3  }
0xa9: {  	[dreg:$0x3] =	wrdreg s5  }
0xaa: {  	[dreg:$0x4] =	wrdreg $0xC0  }
0xab: {  	_ =	task [dreg:s7], $0x5FFFF  }
0xac: {  	[dreg:$0x1] =	wrdreg $0xFFFFFFFF  }
0xad: {  	[dreg:$0x0] =	wrdreg $0x60  }
0xae: {  	[dreg:$0x2] =	wrdreg s24  }
0xaf: {  	[dreg:$0x3] =	wrdreg s2  }
0xb0: {  	[dreg:$0x4] =	wrdreg $0x9  }
0xb1: {  	_ =	task.clear_ibuf [dreg:s7], $0x5FFFF;
	_ =	strace $0x90000046  }
0xb2: {  	s29 =	simm.s32 $0x9;
	_ =	strace $0x80000048  }
0xb3: {  	_ =	swait.ge [sflag:s29], $0x1  }
0xb4: {  	[sflag:s29] =	ssyncadd.s32 $0xFFFFFFFF  }
0xb5: {  	_ =	strace $0x90000048  }
0xb6: {  	_ =	sfence  }
0xb7: {  	s30 =	sld [smem:$0x0];
	_ =	sdelay $0x2  }
0xb8: {  	s31 =	sshll.u32 s1, $0xD;
	s1 =	sshrl.u32 s1, $0x2  }
0xb9: {  	s3 =	sand.u32 $0x4000, s31;
	s1 =	sadd.s32 s1, s30  }
0xba: {  	s0 =	sor.u32 s3, s0;
	s1 =	sshll.u32 s1, $0x11  }
0xbb: {  	s0 =	sor.u32 s1, s0  }
0xbc: {  	s0 =	sadd.s32 $0x8F2B, s0  }
0xbd: {  	[sflag:s0] =	ssyncadd.remote.s32 $0x1  }
0xbe: {  	_ =	sfence.sel $0xFFFF  }
0xbf: {  	[dreg:$0x0] =	wrdreg $0xFFFFFFFF;
	(pc) =	sbr.abs _section_cstart, $3  }
0xc0: {  	[dreg:$0x1] =	wrdreg $0xFFFFFFFF  }
0xc1: {  	_ =	task.clear_ibuf [dreg:s7], $0x2FFFF;
	_ =	strace $0x9FFFFFFF  }
0xc2: {  	(tm) =	ssettm $0x7FFFFFFF  }
0xc3: {  	_ =	shalt  }
tec
execute0_lowered:
.L_overlay_start_1:
0x0: {  	(tag) =	ssettag $0x1  }
0x1: {  	s3 =	rddreg [dreg:$0x0]  }
0x2: {  	s4 =	rddreg [dreg:$0x1];
	s2 =	simm.s32 $0x0  }
0x3: {  	s1 =	srdreg.scid;
	s20 =	simm.s32 $0x8A00;
	[smem:$0x7FF] =	sst s2  }
0x4: {  	s21 =	simm.s32 $0x9200;
	_ =	strace $0x80000047;
	[dreg:$0x8] =	wrdreg s20  }
0x5: {  	s0 =	stileid.u32;
	s22 =	simm.s32 $0x9A00;
	[dreg:$0x9] =	wrdreg s21  }
0x6: {  	s23 =	simm.s32 $0xA200;
	s24 =	simm.s32 $0xAA00;
	[dreg:$0xa] =	wrdreg s22  }
0x7: {  	s25 =	simm.s32 $0xB200;
	s7 =	simm.s32 $0xCA00;
	[dreg:$0xb] =	wrdreg s23  }
0x8: {  	s8 =	simm.s32 $0xD200;
	s9 =	simm.s32 $0xDA00;
	[dreg:$0xc] =	wrdreg s24  }
0x9: {  	s5 =	sshll.u32 s0, $0xA;
	s0 =	simm.s32 $0xBA00;
	[dreg:$0xd] =	wrdreg s25  }
0xa: {  	s10 =	simm.s32 $0xE200;
	s11 =	simm.s32 $0xEA00;
	[dreg:$0xe] =	wrdreg s0  }
0xb: {  	s12 =	simm.s32 $0xF200;
	s13 =	simm.s32 $0xFA00;
	[dreg:$0x10] =	wrdreg s7  }
0xc: {  	s14 =	simm.s32 $0x10A00;
	s15 =	simm.s32 $0x11200;
	[dreg:$0x11] =	wrdreg s8  }
0xd: {  	s28 =	simm.s32 $0x4;
	s29 =	simm.s32 $0x2;
	[dreg:$0x12] =	wrdreg s9  }
0xe: {  	s30 =	simm.s32 $0x3;
	s1 =	sand.u32 $0x1, s1;
	[dreg:$0x13] =	wrdreg s10  }
0xf: {  	s31 =	simm.s32 $0x5;
	s6 =	sshll.u32 s1, $0x9;
	[dreg:$0x14] =	wrdreg s11  }
0x10: {  	s1 =	ssub.s32 $0x2, s1;
	s7 =	simm.s32 $0xA00;
	[dreg:$0x15] =	wrdreg s12  }
0x11: {  	s8 =	simm.s32 $0x1200;
	s9 =	simm.s32 $0x1A00;
	[dreg:$0x16] =	wrdreg s13  }
0x12: {  	s10 =	simm.s32 $0x2200;
	s11 =	simm.s32 $0x2A00;
	[dreg:$0x17] =	wrdreg s14  }
0x13: {  	s12 =	simm.s32 $0x3200;
	s13 =	simm.s32 $0x3A00;
	[dreg:$0x18] =	wrdreg s15  }
0x14: {  	s14 =	simm.s32 $0x4200;
	s15 =	simm.s32 $0x4A00;
	s20 =	simm.s32 $0x13A00  }
0x15: {  	s21 =	simm.s32 $0x14200;
	s22 =	simm.s32 $0x14A00;
	[dreg:$0x1d] =	wrdreg s20  }
0x16: {  	s23 =	simm.s32 $0x15200;
	s24 =	simm.s32 $0x15A00;
	[dreg:$0x1e] =	wrdreg s21  }
0x17: {  	s25 =	simm.s32 $0x16200;
	s5 =	sor.u32 s6, s5;
	[dreg:$0x1f] =	wrdreg s22  }
0x18: {  	s26 =	sshrl.u32 s1, $0x1;
	s20 =	simm.s32 $0x7200;
	[smem:$0x7FA] =	sst s23  }
0x19: {  	s21 =	simm.s32 $0x7A00;
	s22 =	simm.s32 $0x8200;
	[smem:$0x7FB] =	sst s24  }
0x1a: {  	s23 =	simm.s32 $0x10200;
	[smem:$0x7FC] =	sst s25;
	s6 =	sshll.u32 s5, $0x5  }
0x1b: {  	s5 =	sshrl.u32 s5, $0x3;
	s1 =	ssub.s32 s1, s26;
	s26 =	simm.s32 $0x16A00  }
0x1c: {  	s6 =	sadd.s32 s6, s3;
	s4 =	sadd.s32 s4, s5;
	[smem:$0x7FD] =	sst s26  }
0x1d: {  	s25 =	simm.s32 $0x17A00;
	[dreg:$0x3] =	wrdreg s4;
	s16 =	sadd.s32 $0x80000, s6  }
0x1e: {  	s3 =	sadd.s32 $0x40000, s3;
	s17 =	sadd.s32 $0x81000, s6;
	[dreg:$0x4] =	wrdreg s16  }
0x1f: {  	s5 =	simm.s32 $0x7;
	s18 =	sadd.s32 $0x82000, s6;
	[dreg:$0x5] =	wrdreg s17  }
0x20: {  	s26 =	simm.s32 $0x1;
	s19 =	sadd.s32 $0x83000, s6;
	[dreg:$0x6] =	wrdreg s18  }
0x21: {  	s6 =	simm.s32 $0xC200;
	s4 =	smax.u32 s1, $0x1;
	[dreg:$0x7] =	wrdreg s19  }
0x22: {  	s1 =	simm.s32 $0x6;
	[dreg:$0xf] =	wrdreg s6;
	s16 =	simm.s32 $0x11A00  }
0x23: {  	s6 =	simm.s32 $0x200;
	s17 =	simm.s32 $0x12200;
	[dreg:$0x19] =	wrdreg s16  }
0x24: {  	v2 =	vlaneseq.u32;
	s18 =	simm.s32 $0x12A00;
	s19 =	simm.s32 $0x13200;
	[dreg:$0x1a] =	wrdreg s17  }
0x25: {  	vm0 =	vmmov $0xffff;
	v1 =	vshrl.u32 v2, $0x3;
	s16 =	simm.s32 $0x5200;
	[dreg:$0x1b] =	wrdreg s18;
	s17 =	simm.s32 $0x5A00  }
0x26: {  	v0 =	vand.u32 $0x7, v2;
	v2 =	vor.u32 $0x8, v2;
	v1 =	vmul.u32 $0x8, v1;
	[dreg:$0x1c] =	wrdreg s19;
	s18 =	simm.s32 $0x6200;
	s19 =	simm.s32 $0x6A00  }
.LBB2_1:
0x27: {  	s0 =	rddreg [dreg:$0x3]  }
0x28: {  	[tilespmem:s2], [sflag:$0x7] =	stream.linear.gather [hbm4b:s0+s2], $0x200, $0x38;
	[tilespmem:$0x18200] =	vst v63  }
0x29: {  	_ =	swait.ge [sflag:s5], $0x200  }
0x2a: {  	[sflag:s5] =	ssyncset.done $0x0  }
0x2b: {  	[sflag:s5] =	ssyncadd.s32 $0xFFFFFE00  }
0x2c: {  	v3 =	vld [tilespmem:$0x0];
	_ =	sdelay $0x4  }
0x2d: {  	v4 =	vshll.u32 v3, $0x1  }
0x2e: {  	v3 =	vand.u32 $0x7, v3;
	v4 =	vand.u32 $0xFFFFFFF0, v4  }
0x2f: {  	v3 =	vor.u32 v3, v4  }
0x30: {  	v4 =	vperm.xlane v3, v0;
	_ =	sdelay $0x1  }
0x31: {  	v3 =	vperm.xlane v3, v2;
	v4 =	vadd.s32 v1, v4;
	_ =	sdelay $0x1  }
0x32: {  	v3 =	vadd.s32 v1, v3;
	_ =	sdelay $0x2  }
0x33: {  	[tilespmem:s6], [sflag:$0x1] =	stream.indirect_vreg.gather [hbm4b:s3+s2], $0x80, v4, vm0, $0xb8;
	[tilespmem:$0x18200] =	vst v63  }
0x34: {  	_ = 	snop  }
0x35: {  	[tilespmem:s7], [sflag:$0x1] =	stream.indirect_vreg.gather [hbm4b:s3+s2], $0x80, v3, vm0, $0xb8;
	[tilespmem:$0x18200] =	vst v63  }
0x36: {  	v3 =	vld [tilespmem:$0x10];
	_ =	sdelay $0x4  }
0x37: {  	v33 =	vshll.u32 v3, $0x1  }
0x38: {  	v3 =	vand.u32 $0x7, v3;
	v4 =	vand.u32 $0xFFFFFFF0, v33  }
0x39: {  	v3 =	vor.u32 v3, v4  }
0x3a: {  	v4 =	vperm.xlane v3, v0;
	_ =	sdelay $0x1  }
0x3b: {  	v3 =	vperm.xlane v3, v2;
	v4 =	vadd.s32 v1, v4;
	_ =	sdelay $0x1  }
0x3c: {  	v3 =	vadd.s32 v1, v3;
	_ =	sdelay $0x2  }
0x3d: {  	[tilespmem:s8], [sflag:$0x1] =	stream.indirect_vreg.gather [hbm4b:s3+s2], $0x80, v4, vm0, $0xb8;
	[tilespmem:$0x18200] =	vst v63  }
0x3e: {  	_ = 	snop  }
0x3f: {  	[tilespmem:s9], [sflag:$0x1] =	stream.indirect_vreg.gather [hbm4b:s3+s2], $0x80, v3, vm0, $0xb8;
	[tilespmem:$0x18200] =	vst v63  }
0x40: {  	v3 =	vld [tilespmem:$0x20];
	_ =	sdelay $0x4  }
0x41: {  	v34 =	vshll.u32 v3, $0x1  }
0x42: {  	v3 =	vand.u32 $0x7, v3;
	v4 =	vand.u32 $0xFFFFFFF0, v34  }
0x43: {  	v3 =	vor.u32 v3, v4  }
0x44: {  	v4 =	vperm.xlane v3, v0;
	_ =	sdelay $0x1  }
0x45: {  	v3 =	vperm.xlane v3, v2;
	v4 =	vadd.s32 v1, v4;
	_ =	sdelay $0x1  }
0x46: {  	v3 =	vadd.s32 v1, v3;
	_ =	sdelay $0x2  }
0x47: {  	[tilespmem:s10], [sflag:$0x1] =	stream.indirect_vreg.gather [hbm4b:s3+s2], $0x80, v4, vm0, $0xb8;
	[tilespmem:$0x18200] =	vst v63  }
0x48: {  	_ = 	snop  }
0x49: {  	[tilespmem:s11], [sflag:$0x1] =	stream.indirect_vreg.gather [hbm4b:s3+s2], $0x80, v3, vm0, $0xb8;
	[tilespmem:$0x18200] =	vst v63  }
0x4a: {  	v3 =	vld [tilespmem:$0x30];
	_ =	sdelay $0x4  }
0x4b: {  	v35 =	vshll.u32 v3, $0x1  }
0x4c: {  	v3 =	vand.u32 $0x7, v3;
	v4 =	vand.u32 $0xFFFFFFF0, v35  }
0x4d: {  	v3 =	vor.u32 v3, v4  }
0x4e: {  	v4 =	vperm.xlane v3, v0;
	_ =	sdelay $0x1  }
0x4f: {  	v3 =	vperm.xlane v3, v2;
	v4 =	vadd.s32 v1, v4;
	_ =	sdelay $0x1  }
0x50: {  	v3 =	vadd.s32 v1, v3;
	_ =	sdelay $0x2  }
0x51: {  	[tilespmem:s12], [sflag:$0x1] =	stream.indirect_vreg.gather [hbm4b:s3+s2], $0x80, v4, vm0, $0xb8;
	[tilespmem:$0x18200] =	vst v63  }
0x52: {  	_ = 	snop  }
0x53: {  	[tilespmem:s13], [sflag:$0x1] =	stream.indirect_vreg.gather [hbm4b:s3+s2], $0x80, v3, vm0, $0xb8;
	[tilespmem:$0x18200] =	vst v63  }
0x54: {  	v3 =	vld [tilespmem:$0x40];
	_ =	sdelay $0x4  }
0x55: {  	v36 =	vshll.u32 v3, $0x1  }
0x56: {  	v3 =	vand.u32 $0x7, v3;
	v4 =	vand.u32 $0xFFFFFFF0, v36  }
0x57: {  	v3 =	vor.u32 v3, v4  }
0x58: {  	v4 =	vperm.xlane v3, v0;
	_ =	sdelay $0x1  }
0x59: {  	v3 =	vperm.xlane v3, v2;
	v4 =	vadd.s32 v1, v4;
	_ =	sdelay $0x1  }
0x5a: {  	v3 =	vadd.s32 v1, v3;
	_ =	sdelay $0x2  }
0x5b: {  	[tilespmem:s14], [sflag:$0x1] =	stream.indirect_vreg.gather [hbm4b:s3+s2], $0x80, v4, vm0, $0xb8;
	[tilespmem:$0x18200] =	vst v63  }
0x5c: {  	_ = 	snop  }
0x5d: {  	[tilespmem:s15], [sflag:$0x1] =	stream.indirect_vreg.gather [hbm4b:s3+s2], $0x80, v3, vm0, $0xb8;
	[tilespmem:$0x18200] =	vst v63  }
0x5e: {  	v3 =	vld [tilespmem:$0x50];
	_ =	sdelay $0x4  }
0x5f: {  	v37 =	vshll.u32 v3, $0x1  }
0x60: {  	v3 =	vand.u32 $0x7, v3;
	v4 =	vand.u32 $0xFFFFFFF0, v37  }
0x61: {  	v3 =	vor.u32 v3, v4  }
0x62: {  	v4 =	vperm.xlane v3, v0;
	_ =	sdelay $0x1  }
0x63: {  	v3 =	vperm.xlane v3, v2;
	v4 =	vadd.s32 v1, v4;
	_ =	sdelay $0x1  }
0x64: {  	v3 =	vadd.s32 v1, v3;
	_ =	sdelay $0x2  }
0x65: {  	[tilespmem:s16], [sflag:$0x1] =	stream.indirect_vreg.gather [hbm4b:s3+s2], $0x80, v4, vm0, $0xb8;
	[tilespmem:$0x18200] =	vst v63  }
0x66: {  	_ = 	snop  }
0x67: {  	[tilespmem:s17], [sflag:$0x1] =	stream.indirect_vreg.gather [hbm4b:s3+s2], $0x80, v3, vm0, $0xb8;
	[tilespmem:$0x18200] =	vst v63  }
0x68: {  	v3 =	vld [tilespmem:$0x60];
	_ =	sdelay $0x4  }
0x69: {  	v38 =	vshll.u32 v3, $0x1  }
0x6a: {  	v3 =	vand.u32 $0x7, v3;
	v4 =	vand.u32 $0xFFFFFFF0, v38  }
0x6b: {  	v3 =	vor.u32 v3, v4  }
0x6c: {  	v4 =	vperm.xlane v3, v0;
	_ =	sdelay $0x1  }
0x6d: {  	v3 =	vperm.xlane v3, v2;
	v4 =	vadd.s32 v1, v4;
	_ =	sdelay $0x1  }
0x6e: {  	v3 =	vadd.s32 v1, v3;
	_ =	sdelay $0x2  }
0x6f: {  	[tilespmem:s18], [sflag:$0x1] =	stream.indirect_vreg.gather [hbm4b:s3+s2], $0x80, v4, vm0, $0xb8;
	[tilespmem:$0x18200] =	vst v63  }
0x70: {  	_ = 	snop  }
0x71: {  	[tilespmem:s19], [sflag:$0x1] =	stream.indirect_vreg.gather [hbm4b:s3+s2], $0x80, v3, vm0, $0xb8;
	[tilespmem:$0x18200] =	vst v63  }
0x72: {  	v3 =	vld [tilespmem:$0x70];
	_ =	sdelay $0x4  }
0x73: {  	v39 =	vshll.u32 v3, $0x1  }
0x74: {  	v3 =	vand.u32 $0x7, v3;
	v4 =	vand.u32 $0xFFFFFFF0, v39  }
0x75: {  	v3 =	vor.u32 v3, v4  }
0x76: {  	v4 =	vperm.xlane v3, v0;
	_ =	sdelay $0x1  }
0x77: {  	v3 =	vperm.xlane v3, v2;
	v4 =	vadd.s32 v1, v4;
	_ =	sdelay $0x1  }
0x78: {  	v3 =	vadd.s32 v1, v3;
	_ =	sdelay $0x2  }
0x79: {  	[tilespmem:s20], [sflag:$0x1] =	stream.indirect_vreg.gather [hbm4b:s3+s2], $0x80, v4, vm0, $0xb8;
	[tilespmem:$0x18200] =	vst v63  }
0x7a: {  	_ = 	snop  }
0x7b: {  	[tilespmem:s21], [sflag:$0x1] =	stream.indirect_vreg.gather [hbm4b:s3+s2], $0x80, v3, vm0, $0xb8;
	[tilespmem:$0x18200] =	vst v63  }
0x7c: {  	v3 =	vld [tilespmem:$0x80];
	_ =	sdelay $0x4  }
0x7d: {  	v40 =	vshll.u32 v3, $0x1  }
0x7e: {  	v3 =	vand.u32 $0x7, v3;
	v4 =	vand.u32 $0xFFFFFFF0, v40  }
0x7f: {  	v3 =	vor.u32 v3, v4  }
0x80: {  	v4 =	vperm.xlane v3, v0;
	_ =	sdelay $0x1  }
0x81: {  	v3 =	vperm.xlane v3, v2;
	v4 =	vadd.s32 v1, v4;
	_ =	sdelay $0x1  }
0x82: {  	v3 =	vadd.s32 v1, v3;
	_ =	sdelay $0x2  }
0x83: {  	[tilespmem:s22], [sflag:$0x2] =	stream.indirect_vreg.gather [hbm4b:s3+s2], $0x80, v4, vm0, $0xb8;
	[tilespmem:$0x18200] =	vst v63  }
0x84: {  	s24 =	rddreg [dreg:$0x8]  }
0x85: {  	[tilespmem:s24], [sflag:$0x2] =	stream.indirect_vreg.gather [hbm4b:s3+s2], $0x80, v3, vm0, $0xb8;
	[tilespmem:$0x18200] =	vst v63  }
0x86: {  	v3 =	vld [tilespmem:$0x90];
	_ =	sdelay $0x4  }
0x87: {  	v41 =	vshll.u32 v3, $0x1  }
0x88: {  	v3 =	vand.u32 $0x7, v3;
	v4 =	vand.u32 $0xFFFFFFF0, v41  }
0x89: {  	v3 =	vor.u32 v3, v4  }
0x8a: {  	v4 =	vperm.xlane v3, v0;
	_ =	sdelay $0x1  }
0x8b: {  	v3 =	vperm.xlane v3, v2;
	v4 =	vadd.s32 v1, v4;
	_ =	sdelay $0x1  }
0x8c: {  	v3 =	vadd.s32 v1, v3;
	_ =	sdelay $0x1  }
0x8d: {  	s0 =	rddreg [dreg:$0x9]  }
0x8e: {  	[tilespmem:s0], [sflag:$0x2] =	stream.indirect_vreg.gather [hbm4b:s3+s2], $0x80, v4, vm0, $0xb8;
	[tilespmem:$0x18200] =	vst v63  }
0x8f: {  	s24 =	rddreg [dreg:$0xa]  }
0x90: {  	[tilespmem:s24], [sflag:$0x2] =	stream.indirect_vreg.gather [hbm4b:s3+s2], $0x80, v3, vm0, $0xb8;
	[tilespmem:$0x18200] =	vst v63  }
0x91: {  	v3 =	vld [tilespmem:$0xA0];
	_ =	sdelay $0x4  }
0x92: {  	v42 =	vshll.u32 v3, $0x1  }
0x93: {  	v3 =	vand.u32 $0x7, v3;
	v4 =	vand.u32 $0xFFFFFFF0, v42  }
0x94: {  	v3 =	vor.u32 v3, v4  }
0x95: {  	v4 =	vperm.xlane v3, v0;
	_ =	sdelay $0x1  }
0x96: {  	v3 =	vperm.xlane v3, v2;
	v4 =	vadd.s32 v1, v4;
	_ =	sdelay $0x1  }
0x97: {  	v3 =	vadd.s32 v1, v3;
	_ =	sdelay $0x1  }
0x98: {  	s0 =	rddreg [dreg:$0xb]  }
0x99: {  	[tilespmem:s0], [sflag:$0x2] =	stream.indirect_vreg.gather [hbm4b:s3+s2], $0x80, v4, vm0, $0xb8;
	[tilespmem:$0x18200] =	vst v63  }
0x9a: {  	s24 =	rddreg [dreg:$0xc]  }
0x9b: {  	[tilespmem:s24], [sflag:$0x2] =	stream.indirect_vreg.gather [hbm4b:s3+s2], $0x80, v3, vm0, $0xb8;
	[tilespmem:$0x18200] =	vst v63  }
0x9c: {  	v3 =	vld [tilespmem:$0xB0];
	_ =	sdelay $0x4  }
0x9d: {  	v43 =	vshll.u32 v3, $0x1  }
0x9e: {  	v3 =	vand.u32 $0x7, v3;
	v4 =	vand.u32 $0xFFFFFFF0, v43  }
0x9f: {  	v3 =	vor.u32 v3, v4  }
0xa0: {  	v4 =	vperm.xlane v3, v0;
	_ =	sdelay $0x1  }
0xa1: {  	v3 =	vperm.xlane v3, v2;
	v4 =	vadd.s32 v1, v4;
	_ =	sdelay $0x1  }
0xa2: {  	v3 =	vadd.s32 v1, v3;
	_ =	sdelay $0x1  }
0xa3: {  	s0 =	rddreg [dreg:$0xd]  }
0xa4: {  	[tilespmem:s0], [sflag:$0x2] =	stream.indirect_vreg.gather [hbm4b:s3+s2], $0x80, v4, vm0, $0xb8;
	[tilespmem:$0x18200] =	vst v63  }
0xa5: {  	s24 =	rddreg [dreg:$0xe]  }
0xa6: {  	[tilespmem:s24], [sflag:$0x2] =	stream.indirect_vreg.gather [hbm4b:s3+s2], $0x80, v3, vm0, $0xb8;
	[tilespmem:$0x18200] =	vst v63  }
0xa7: {  	v3 =	vld [tilespmem:$0xC0];
	_ =	sdelay $0x4  }
0xa8: {  	v44 =	vshll.u32 v3, $0x1  }
0xa9: {  	v3 =	vand.u32 $0x7, v3;
	v4 =	vand.u32 $0xFFFFFFF0, v44  }
0xaa: {  	v3 =	vor.u32 v3, v4  }
0xab: {  	v4 =	vperm.xlane v3, v0;
	_ =	sdelay $0x1  }
0xac: {  	v3 =	vperm.xlane v3, v2;
	v4 =	vadd.s32 v1, v4;
	_ =	sdelay $0x1  }
0xad: {  	v3 =	vadd.s32 v1, v3;
	_ =	sdelay $0x1  }
0xae: {  	s0 =	rddreg [dreg:$0xf]  }
0xaf: {  	[tilespmem:s0], [sflag:$0x2] =	stream.indirect_vreg.gather [hbm4b:s3+s2], $0x80, v4, vm0, $0xb8;
	[tilespmem:$0x18200] =	vst v63  }
0xb0: {  	s24 =	rddreg [dreg:$0x10]  }
0xb1: {  	[tilespmem:s24], [sflag:$0x2] =	stream.indirect_vreg.gather [hbm4b:s3+s2], $0x80, v3, vm0, $0xb8;
	[tilespmem:$0x18200] =	vst v63  }
0xb2: {  	v3 =	vld [tilespmem:$0xD0];
	_ =	sdelay $0x4  }
0xb3: {  	v45 =	vshll.u32 v3, $0x1  }
0xb4: {  	v3 =	vand.u32 $0x7, v3;
	v4 =	vand.u32 $0xFFFFFFF0, v45  }
0xb5: {  	v3 =	vor.u32 v3, v4  }
0xb6: {  	v4 =	vperm.xlane v3, v0;
	_ =	sdelay $0x1  }
0xb7: {  	v3 =	vperm.xlane v3, v2;
	v4 =	vadd.s32 v1, v4;
	_ =	sdelay $0x1  }
0xb8: {  	v3 =	vadd.s32 v1, v3;
	_ =	sdelay $0x1  }
0xb9: {  	s0 =	rddreg [dreg:$0x11]  }
0xba: {  	[tilespmem:s0], [sflag:$0x2] =	stream.indirect_vreg.gather [hbm4b:s3+s2], $0x80, v4, vm0, $0xb8;
	[tilespmem:$0x18200] =	vst v63  }
0xbb: {  	s24 =	rddreg [dreg:$0x12]  }
0xbc: {  	[tilespmem:s24], [sflag:$0x2] =	stream.indirect_vreg.gather [hbm4b:s3+s2], $0x80, v3, vm0, $0xb8;
	[tilespmem:$0x18200] =	vst v63  }
0xbd: {  	v3 =	vld [tilespmem:$0xE0];
	_ =	sdelay $0x4  }
0xbe: {  	v46 =	vshll.u32 v3, $0x1  }
0xbf: {  	v3 =	vand.u32 $0x7, v3;
	v4 =	vand.u32 $0xFFFFFFF0, v46  }
0xc0: {  	v3 =	vor.u32 v3, v4  }
0xc1: {  	v4 =	vperm.xlane v3, v0;
	_ =	sdelay $0x1  }
0xc2: {  	v3 =	vperm.xlane v3, v2;
	v4 =	vadd.s32 v1, v4;
	_ =	sdelay $0x1  }
0xc3: {  	v3 =	vadd.s32 v1, v3;
	_ =	sdelay $0x1  }
0xc4: {  	s0 =	rddreg [dreg:$0x13]  }
0xc5: {  	[tilespmem:s0], [sflag:$0x2] =	stream.indirect_vreg.gather [hbm4b:s3+s2], $0x80, v4, vm0, $0xb8;
	[tilespmem:$0x18200] =	vst v63  }
0xc6: {  	s24 =	rddreg [dreg:$0x14]  }
0xc7: {  	[tilespmem:s24], [sflag:$0x2] =	stream.indirect_vreg.gather [hbm4b:s3+s2], $0x80, v3, vm0, $0xb8;
	[tilespmem:$0x18200] =	vst v63  }
0xc8: {  	v3 =	vld [tilespmem:$0xF0];
	_ =	sdelay $0x4  }
0xc9: {  	v47 =	vshll.u32 v3, $0x1  }
0xca: {  	v3 =	vand.u32 $0x7, v3;
	v4 =	vand.u32 $0xFFFFFFF0, v47  }
0xcb: {  	v3 =	vor.u32 v3, v4  }
0xcc: {  	v4 =	vperm.xlane v3, v0;
	_ =	sdelay $0x1  }
0xcd: {  	v3 =	vperm.xlane v3, v2;
	v4 =	vadd.s32 v1, v4;
	_ =	sdelay $0x1  }
0xce: {  	v3 =	vadd.s32 v1, v3;
	_ =	sdelay $0x1  }
0xcf: {  	s0 =	rddreg [dreg:$0x15]  }
0xd0: {  	[tilespmem:s0], [sflag:$0x2] =	stream.indirect_vreg.gather [hbm4b:s3+s2], $0x80, v4, vm0, $0xb8;
	[tilespmem:$0x18200] =	vst v63  }
0xd1: {  	s24 =	rddreg [dreg:$0x16]  }
0xd2: {  	[tilespmem:s24], [sflag:$0x2] =	stream.indirect_vreg.gather [hbm4b:s3+s2], $0x80, v3, vm0, $0xb8;
	[tilespmem:$0x18200] =	vst v63  }
0xd3: {  	v3 =	vld [tilespmem:$0x100];
	_ =	sdelay $0x4  }
0xd4: {  	v48 =	vshll.u32 v3, $0x1  }
0xd5: {  	v3 =	vand.u32 $0x7, v3;
	v4 =	vand.u32 $0xFFFFFFF0, v48  }
0xd6: {  	v3 =	vor.u32 v3, v4  }
0xd7: {  	v4 =	vperm.xlane v3, v0;
	_ =	sdelay $0x1  }
0xd8: {  	v3 =	vperm.xlane v3, v2;
	v4 =	vadd.s32 v1, v4;
	_ =	sdelay $0x1  }
0xd9: {  	v3 =	vadd.s32 v1, v3;
	_ =	sdelay $0x2  }
0xda: {  	[tilespmem:s23], [sflag:$0x3] =	stream.indirect_vreg.gather [hbm4b:s3+s2], $0x80, v4, vm0, $0xb8;
	[tilespmem:$0x18200] =	vst v63  }
0xdb: {  	s24 =	rddreg [dreg:$0x17]  }
0xdc: {  	[tilespmem:s24], [sflag:$0x3] =	stream.indirect_vreg.gather [hbm4b:s3+s2], $0x80, v3, vm0, $0xb8;
	[tilespmem:$0x18200] =	vst v63  }
0xdd: {  	v3 =	vld [tilespmem:$0x110];
	_ =	sdelay $0x4  }
0xde: {  	v49 =	vshll.u32 v3, $0x1  }
0xdf: {  	v3 =	vand.u32 $0x7, v3;
	v4 =	vand.u32 $0xFFFFFFF0, v49  }
0xe0: {  	v3 =	vor.u32 v3, v4  }
0xe1: {  	v4 =	vperm.xlane v3, v0;
	_ =	sdelay $0x1  }
0xe2: {  	v3 =	vperm.xlane v3, v2;
	v4 =	vadd.s32 v1, v4;
	_ =	sdelay $0x1  }
0xe3: {  	v3 =	vadd.s32 v1, v3;
	_ =	sdelay $0x1  }
0xe4: {  	s0 =	rddreg [dreg:$0x18]  }
0xe5: {  	[tilespmem:s0], [sflag:$0x3] =	stream.indirect_vreg.gather [hbm4b:s3+s2], $0x80, v4, vm0, $0xb8;
	[tilespmem:$0x18200] =	vst v63  }
0xe6: {  	s24 =	rddreg [dreg:$0x19]  }
0xe7: {  	[tilespmem:s24], [sflag:$0x3] =	stream.indirect_vreg.gather [hbm4b:s3+s2], $0x80, v3, vm0, $0xb8;
	[tilespmem:$0x18200] =	vst v63  }
0xe8: {  	v3 =	vld [tilespmem:$0x120];
	_ =	sdelay $0x4  }
0xe9: {  	v50 =	vshll.u32 v3, $0x1  }
0xea: {  	v3 =	vand.u32 $0x7, v3;
	v4 =	vand.u32 $0xFFFFFFF0, v50  }
0xeb: {  	v3 =	vor.u32 v3, v4  }
0xec: {  	v4 =	vperm.xlane v3, v0;
	_ =	sdelay $0x1  }
0xed: {  	v3 =	vperm.xlane v3, v2;
	v4 =	vadd.s32 v1, v4;
	_ =	sdelay $0x1  }
0xee: {  	v3 =	vadd.s32 v1, v3;
	_ =	sdelay $0x1  }
0xef: {  	s0 =	rddreg [dreg:$0x1a]  }
0xf0: {  	[tilespmem:s0], [sflag:$0x3] =	stream.indirect_vreg.gather [hbm4b:s3+s2], $0x80, v4, vm0, $0xb8;
	[tilespmem:$0x18200] =	vst v63  }
0xf1: {  	s24 =	rddreg [dreg:$0x1b]  }
0xf2: {  	[tilespmem:s24], [sflag:$0x3] =	stream.indirect_vreg.gather [hbm4b:s3+s2], $0x80, v3, vm0, $0xb8;
	[tilespmem:$0x18200] =	vst v63  }
0xf3: {  	v3 =	vld [tilespmem:$0x130];
	_ =	sdelay $0x4  }
0xf4: {  	v51 =	vshll.u32 v3, $0x1  }
0xf5: {  	v3 =	vand.u32 $0x7, v3;
	v4 =	vand.u32 $0xFFFFFFF0, v51  }
0xf6: {  	v3 =	vor.u32 v3, v4  }
0xf7: {  	v4 =	vperm.xlane v3, v0;
	_ =	sdelay $0x1  }
0xf8: {  	v3 =	vperm.xlane v3, v2;
	v4 =	vadd.s32 v1, v4;
	_ =	sdelay $0x1  }
0xf9: {  	v3 =	vadd.s32 v1, v3;
	_ =	sdelay $0x1  }
0xfa: {  	s0 =	rddreg [dreg:$0x1c]  }
0xfb: {  	[tilespmem:s0], [sflag:$0x3] =	stream.indirect_vreg.gather [hbm4b:s3+s2], $0x80, v4, vm0, $0xb8;
	[tilespmem:$0x18200] =	vst v63  }
0xfc: {  	s24 =	rddreg [dreg:$0x1d]  }
0xfd: {  	[tilespmem:s24], [sflag:$0x3] =	stream.indirect_vreg.gather [hbm4b:s3+s2], $0x80, v3, vm0, $0xb8;
	[tilespmem:$0x18200] =	vst v63  }
0xfe: {  	v3 =	vld [tilespmem:$0x140];
	_ =	sdelay $0x4  }
0xff: {  	v52 =	vshll.u32 v3, $0x1  }
0x100: {  	v3 =	vand.u32 $0x7, v3;
	v4 =	vand.u32 $0xFFFFFFF0, v52  }
0x101: {  	v3 =	vor.u32 v3, v4  }
0x102: {  	v4 =	vperm.xlane v3, v0;
	_ =	sdelay $0x1  }
0x103: {  	v3 =	vperm.xlane v3, v2;
	v4 =	vadd.s32 v1, v4;
	_ =	sdelay $0x1  }
0x104: {  	v3 =	vadd.s32 v1, v3;
	_ =	sdelay $0x1  }
0x105: {  	s0 =	rddreg [dreg:$0x1e]  }
0x106: {  	[tilespmem:s0], [sflag:$0x3] =	stream.indirect_vreg.gather [hbm4b:s3+s2], $0x80, v4, vm0, $0xb8;
	[tilespmem:$0x18200] =	vst v63  }
0x107: {  	s24 =	rddreg [dreg:$0x1f]  }
0x108: {  	[tilespmem:s24], [sflag:$0x3] =	stream.indirect_vreg.gather [hbm4b:s3+s2], $0x80, v3, vm0, $0xb8;
	[tilespmem:$0x18200] =	vst v63  }
0x109: {  	v3 =	vld [tilespmem:$0x150];
	_ =	sdelay $0x4  }
0x10a: {  	v53 =	vshll.u32 v3, $0x1  }
0x10b: {  	v3 =	vand.u32 $0x7, v3;
	v4 =	vand.u32 $0xFFFFFFF0, v53  }
0x10c: {  	v3 =	vor.u32 v3, v4  }
0x10d: {  	v4 =	vperm.xlane v3, v0;
	_ =	sdelay $0x1  }
0x10e: {  	v3 =	vperm.xlane v3, v2;
	v4 =	vadd.s32 v1, v4;
	_ =	sdelay $0x1  }
0x10f: {  	s0 =	sld [smem:$0x7FA];
	v3 =	vadd.s32 v1, v3;
	_ =	sdelay $0x1  }
0x110: {  	s24 =	sld [smem:$0x7FB]  }
0x111: {  	[tilespmem:s0], [sflag:$0x3] =	stream.indirect_vreg.gather [hbm4b:s3+s2], $0x80, v4, vm0, $0xb8;
	[tilespmem:$0x18200] =	vst v63  }
0x112: {  	_ = 	snop  }
0x113: {  	[tilespmem:s24], [sflag:$0x3] =	stream.indirect_vreg.gather [hbm4b:s3+s2], $0x80, v3, vm0, $0xb8;
	[tilespmem:$0x18200] =	vst v63  }
0x114: {  	v3 =	vld [tilespmem:$0x160];
	_ =	sdelay $0x4  }
0x115: {  	v54 =	vshll.u32 v3, $0x1  }
0x116: {  	v3 =	vand.u32 $0x7, v3;
	v4 =	vand.u32 $0xFFFFFFF0, v54  }
0x117: {  	v3 =	vor.u32 v3, v4  }
0x118: {  	v4 =	vperm.xlane v3, v0;
	_ =	sdelay $0x1  }
0x119: {  	v3 =	vperm.xlane v3, v2;
	v4 =	vadd.s32 v1, v4;
	_ =	sdelay $0x1  }
0x11a: {  	s0 =	sld [smem:$0x7FC];
	v3 =	vadd.s32 v1, v3;
	_ =	sdelay $0x1  }
0x11b: {  	s24 =	sld [smem:$0x7FD]  }
0x11c: {  	[tilespmem:s0], [sflag:$0x3] =	stream.indirect_vreg.gather [hbm4b:s3+s2], $0x80, v4, vm0, $0xb8;
	[tilespmem:$0x18200] =	vst v63  }
0x11d: {  	_ = 	snop  }
0x11e: {  	[tilespmem:s24], [sflag:$0x3] =	stream.indirect_vreg.gather [hbm4b:s3+s2], $0x80, v3, vm0, $0xb8;
	[tilespmem:$0x18200] =	vst v63  }
0x11f: {  	v3 =	vld [tilespmem:$0x170];
	_ =	sdelay $0x4  }
0x120: {  	v55 =	vshll.u32 v3, $0x1  }
0x121: {  	v3 =	vand.u32 $0x7, v3;
	v4 =	vand.u32 $0xFFFFFFF0, v55  }
0x122: {  	v3 =	vor.u32 v3, v4  }
0x123: {  	v4 =	vperm.xlane v3, v0;
	_ =	sdelay $0x1  }
0x124: {  	v3 =	vperm.xlane v3, v2;
	v4 =	vadd.s32 v1, v4;
	_ =	sdelay $0x1  }
0x125: {  	v3 =	vadd.s32 v1, v3;
	_ =	sdelay $0x1  }
0x126: {  	s24 =	simm.s32 $0x17200  }
0x127: {  	[tilespmem:s24], [sflag:$0x3] =	stream.indirect_vreg.gather [hbm4b:s3+s2], $0x80, v4, vm0, $0xb8;
	[tilespmem:$0x18200] =	vst v63  }
0x128: {  	_ = 	snop  }
0x129: {  	[tilespmem:s25], [sflag:$0x3] =	stream.indirect_vreg.gather [hbm4b:s3+s2], $0x80, v3, vm0, $0xb8;
	[tilespmem:$0x18200] =	vst v63  }
0x12a: {  	_ =	swait.ge [sflag:s26], $0x8000  }
0x12b: {  	[sflag:s26] =	ssyncset.done $0x0  }
0x12c: {  	s24 =	rddreg [dreg:$0x4];
	[sflag:s26] =	ssyncadd.s32 $0xFFFF8000  }
0x12d: {  	[hbm4b:s24+s2] =	stream.linear.scatter [tilespmem:s6], [sflag:$0x4], $0x8000, $0x38;
	[tilespmem:$0x18200] =	vst v63  }
0x12e: {  	_ =	swait.ge [sflag:s28], $0x8000  }
0x12f: {  	[sflag:s28] =	ssyncset.done $0x0  }
0x130: {  	[sflag:s28] =	ssyncadd.s32 $0xFFFF8000  }
0x131: {  	v3 =	vld [tilespmem:$0x180];
	_ =	sdelay $0x4  }
0x132: {  	v56 =	vshll.u32 v3, $0x1  }
0x133: {  	v3 =	vand.u32 $0x7, v3;
	v4 =	vand.u32 $0xFFFFFFF0, v56  }
0x134: {  	v3 =	vor.u32 v3, v4  }
0x135: {  	v4 =	vperm.xlane v3, v0;
	_ =	sdelay $0x1  }
0x136: {  	v3 =	vperm.xlane v3, v2;
	v4 =	vadd.s32 v1, v4;
	_ =	sdelay $0x1  }
0x137: {  	v3 =	vadd.s32 v1, v3;
	_ =	sdelay $0x2  }
0x138: {  	[tilespmem:s6], [sflag:$0x1] =	stream.indirect_vreg.gather [hbm4b:s3+s2], $0x80, v4, vm0, $0xb8;
	[tilespmem:$0x18200] =	vst v63  }
0x139: {  	_ = 	snop  }
0x13a: {  	[tilespmem:s7], [sflag:$0x1] =	stream.indirect_vreg.gather [hbm4b:s3+s2], $0x80, v3, vm0, $0xb8;
	[tilespmem:$0x18200] =	vst v63  }
0x13b: {  	v3 =	vld [tilespmem:$0x190];
	_ =	sdelay $0x4  }
0x13c: {  	v57 =	vshll.u32 v3, $0x1  }
0x13d: {  	v3 =	vand.u32 $0x7, v3;
	v4 =	vand.u32 $0xFFFFFFF0, v57  }
0x13e: {  	v3 =	vor.u32 v3, v4  }
0x13f: {  	v4 =	vperm.xlane v3, v0;
	_ =	sdelay $0x1  }
0x140: {  	v3 =	vperm.xlane v3, v2;
	v4 =	vadd.s32 v1, v4;
	_ =	sdelay $0x1  }
0x141: {  	v3 =	vadd.s32 v1, v3;
	_ =	sdelay $0x2  }
0x142: {  	[tilespmem:s8], [sflag:$0x1] =	stream.indirect_vreg.gather [hbm4b:s3+s2], $0x80, v4, vm0, $0xb8;
	[tilespmem:$0x18200] =	vst v63  }
0x143: {  	_ = 	snop  }
0x144: {  	[tilespmem:s9], [sflag:$0x1] =	stream.indirect_vreg.gather [hbm4b:s3+s2], $0x80, v3, vm0, $0xb8;
	[tilespmem:$0x18200] =	vst v63  }
0x145: {  	v3 =	vld [tilespmem:$0x1A0];
	_ =	sdelay $0x4  }
0x146: {  	v58 =	vshll.u32 v3, $0x1  }
0x147: {  	v3 =	vand.u32 $0x7, v3;
	v4 =	vand.u32 $0xFFFFFFF0, v58  }
0x148: {  	v3 =	vor.u32 v3, v4  }
0x149: {  	v4 =	vperm.xlane v3, v0;
	_ =	sdelay $0x1  }
0x14a: {  	v3 =	vperm.xlane v3, v2;
	v4 =	vadd.s32 v1, v4;
	_ =	sdelay $0x1  }
0x14b: {  	v3 =	vadd.s32 v1, v3;
	_ =	sdelay $0x2  }
0x14c: {  	[tilespmem:s10], [sflag:$0x1] =	stream.indirect_vreg.gather [hbm4b:s3+s2], $0x80, v4, vm0, $0xb8;
	[tilespmem:$0x18200] =	vst v63  }
0x14d: {  	_ = 	snop  }
0x14e: {  	[tilespmem:s11], [sflag:$0x1] =	stream.indirect_vreg.gather [hbm4b:s3+s2], $0x80, v3, vm0, $0xb8;
	[tilespmem:$0x18200] =	vst v63  }
0x14f: {  	v3 =	vld [tilespmem:$0x1B0];
	_ =	sdelay $0x4  }
0x150: {  	v59 =	vshll.u32 v3, $0x1  }
0x151: {  	v3 =	vand.u32 $0x7, v3;
	v4 =	vand.u32 $0xFFFFFFF0, v59  }
0x152: {  	v3 =	vor.u32 v3, v4  }
0x153: {  	v4 =	vperm.xlane v3, v0;
	_ =	sdelay $0x1  }
0x154: {  	v3 =	vperm.xlane v3, v2;
	v4 =	vadd.s32 v1, v4;
	_ =	sdelay $0x1  }
0x155: {  	v3 =	vadd.s32 v1, v3;
	_ =	sdelay $0x2  }
0x156: {  	[tilespmem:s12], [sflag:$0x1] =	stream.indirect_vreg.gather [hbm4b:s3+s2], $0x80, v4, vm0, $0xb8;
	[tilespmem:$0x18200] =	vst v63  }
0x157: {  	_ = 	snop  }
0x158: {  	[tilespmem:s13], [sflag:$0x1] =	stream.indirect_vreg.gather [hbm4b:s3+s2], $0x80, v3, vm0, $0xb8;
	[tilespmem:$0x18200] =	vst v63  }
0x159: {  	v3 =	vld [tilespmem:$0x1C0];
	_ =	sdelay $0x4  }
0x15a: {  	v60 =	vshll.u32 v3, $0x1  }
0x15b: {  	v3 =	vand.u32 $0x7, v3;
	v4 =	vand.u32 $0xFFFFFFF0, v60  }
0x15c: {  	v3 =	vor.u32 v3, v4  }
0x15d: {  	v4 =	vperm.xlane v3, v0;
	_ =	sdelay $0x1  }
0x15e: {  	v3 =	vperm.xlane v3, v2;
	v4 =	vadd.s32 v1, v4;
	_ =	sdelay $0x1  }
0x15f: {  	v3 =	vadd.s32 v1, v3;
	_ =	sdelay $0x2  }
0x160: {  	[tilespmem:s14], [sflag:$0x1] =	stream.indirect_vreg.gather [hbm4b:s3+s2], $0x80, v4, vm0, $0xb8;
	[tilespmem:$0x18200] =	vst v63  }
0x161: {  	_ = 	snop  }
0x162: {  	[tilespmem:s15], [sflag:$0x1] =	stream.indirect_vreg.gather [hbm4b:s3+s2], $0x80, v3, vm0, $0xb8;
	[tilespmem:$0x18200] =	vst v63  }
0x163: {  	v3 =	vld [tilespmem:$0x1D0];
	_ =	sdelay $0x4  }
0x164: {  	v61 =	vshll.u32 v3, $0x1  }
0x165: {  	v3 =	vand.u32 $0x7, v3;
	v4 =	vand.u32 $0xFFFFFFF0, v61  }
0x166: {  	v3 =	vor.u32 v3, v4  }
0x167: {  	v4 =	vperm.xlane v3, v0;
	_ =	sdelay $0x1  }
0x168: {  	v3 =	vperm.xlane v3, v2;
	v4 =	vadd.s32 v1, v4;
	_ =	sdelay $0x1  }
0x169: {  	v3 =	vadd.s32 v1, v3;
	_ =	sdelay $0x2  }
0x16a: {  	[tilespmem:s16], [sflag:$0x1] =	stream.indirect_vreg.gather [hbm4b:s3+s2], $0x80, v4, vm0, $0xb8;
	[tilespmem:$0x18200] =	vst v63  }
0x16b: {  	_ = 	snop  }
0x16c: {  	[tilespmem:s17], [sflag:$0x1] =	stream.indirect_vreg.gather [hbm4b:s3+s2], $0x80, v3, vm0, $0xb8;
	[tilespmem:$0x18200] =	vst v63  }
0x16d: {  	v3 =	vld [tilespmem:$0x1E0];
	_ =	sdelay $0x4  }
0x16e: {  	v62 =	vshll.u32 v3, $0x1  }
0x16f: {  	v3 =	vand.u32 $0x7, v3;
	v4 =	vand.u32 $0xFFFFFFF0, v62  }
0x170: {  	v3 =	vor.u32 v3, v4  }
0x171: {  	v4 =	vperm.xlane v3, v0;
	_ =	sdelay $0x1  }
0x172: {  	v3 =	vperm.xlane v3, v2;
	v4 =	vadd.s32 v1, v4;
	_ =	sdelay $0x1  }
0x173: {  	v3 =	vadd.s32 v1, v3;
	_ =	sdelay $0x2  }
0x174: {  	[tilespmem:s18], [sflag:$0x1] =	stream.indirect_vreg.gather [hbm4b:s3+s2], $0x80, v4, vm0, $0xb8;
	[tilespmem:$0x18200] =	vst v63  }
0x175: {  	_ = 	snop  }
0x176: {  	[tilespmem:s19], [sflag:$0x1] =	stream.indirect_vreg.gather [hbm4b:s3+s2], $0x80, v3, vm0, $0xb8;
	[tilespmem:$0x18200] =	vst v63  }
0x177: {  	v3 =	vld [tilespmem:$0x1F0];
	_ =	sdelay $0x4  }
0x178: {  	v63 =	vshll.u32 v3, $0x1  }
0x179: {  	v3 =	vand.u32 $0x7, v3;
	v4 =	vand.u32 $0xFFFFFFF0, v63  }
0x17a: {  	v3 =	vor.u32 v3, v4  }
0x17b: {  	v4 =	vperm.xlane v3, v0;
	_ =	sdelay $0x1  }
0x17c: {  	v3 =	vperm.xlane v3, v2;
	v4 =	vadd.s32 v1, v4;
	_ =	sdelay $0x1  }
0x17d: {  	v3 =	vadd.s32 v1, v3;
	_ =	sdelay $0x2  }
0x17e: {  	[tilespmem:s20], [sflag:$0x1] =	stream.indirect_vreg.gather [hbm4b:s3+s2], $0x80, v4, vm0, $0xb8;
	[tilespmem:$0x18200] =	vst v63  }
0x17f: {  	_ = 	snop  }
0x180: {  	[tilespmem:s21], [sflag:$0x1] =	stream.indirect_vreg.gather [hbm4b:s3+s2], $0x80, v3, vm0, $0xb8;
	[tilespmem:$0x18200] =	vst v63  }
0x181: {  	_ =	swait.ge [sflag:s29], $0x8000  }
0x182: {  	[sflag:s29] =	ssyncset.done $0x0  }
0x183: {  	s24 =	rddreg [dreg:$0x5];
	[sflag:s29] =	ssyncadd.s32 $0xFFFF8000  }
0x184: {  	[hbm4b:s24+s2] =	stream.linear.scatter [tilespmem:s22], [sflag:$0x5], $0x8000, $0x38;
	[tilespmem:$0x18200] =	vst v63  }
0x185: {  	_ =	swait.ge [sflag:s30], $0x8000  }
0x186: {  	[sflag:s30] =	ssyncset.done $0x0  }
0x187: {  	s24 =	rddreg [dreg:$0x6];
	[sflag:s30] =	ssyncadd.s32 $0xFFFF8000  }
0x188: {  	[hbm4b:s24+s2] =	stream.linear.scatter [tilespmem:s23], [sflag:$0x6], $0x8000, $0x38;
	[tilespmem:$0x18200] =	vst v63  }
0x189: {  	_ =	swait.ge [sflag:s26], $0x8000  }
0x18a: {  	[sflag:s26] =	ssyncset.done $0x0  }
0x18b: {  	s24 =	rddreg [dreg:$0x7];
	[sflag:s26] =	ssyncadd.s32 $0xFFFF8000  }
0x18c: {  	[hbm4b:s24+s2] =	stream.linear.scatter [tilespmem:s6], [sflag:$0x4], $0x8000, $0x38;
	[tilespmem:$0x18200] =	vst v63  }
0x18d: {  	_ =	swait.ge [sflag:s31], $0x8000  }
0x18e: {  	[sflag:s31] =	ssyncset.done $0x0  }
0x18f: {  	[sflag:s31] =	ssyncadd.s32 $0xFFFF8000  }
0x190: {  	p0 =	sne.s32 s4, $0x1;
	_ =	swait.ge [sflag:s1], $0x8000  }
.Ltmp0:
0x191: {  	[sflag:s1] =	ssyncset.done $0x0;
	(pc) =	sbr.rel @p0 .LBB2_1-.Ltmp0, $4  }
0x192: {  	[sflag:s1] =	ssyncadd.s32 $0xFFFF8000  }
0x193: {  	_ =	swait.ge [sflag:s28], $0x8000  }
0x194: {  	[sflag:s28] =	ssyncset.done $0x0  }
0x195: {  	s4 =	sadd.s32 $0xFFFFFFFF, s4;
	[sflag:s28] =	ssyncadd.s32 $0xFFFF8000  }
0x196: {  	_ =	sfence.sel $0x180000  }
0x197: {  	[bflag:$0x0] =	sbarrier.arrive $0xFFFF  }
0x198: {  	_ =	strace $0x90000047  }
0x199: {  	s0 =	stileid.u32;
	[bflag:$0x2] =	sbarrier.arrive $0xFFFF  }
0x19a: {  	p0 =	sne.s32 s0, $0x0;
	s0 =	rddreg [dreg:$0x2]  }
0x19b: {  	s0 =	sadd.s32 @!p0 $0x100000, s0  }
0x19c: {  	[sflag:s0] =	ssyncadd.tile.s32 @!p0 $0x1;
	_ =	shalt  }
.Lfunc_end2:
_tile_overlayer_lowered:
.L_overlay_start_2:
0x19d: {  	(tag) =	ssettag $0x2  }
0x19e: {  	s0 =	rddreg [dreg:$0x0];
	s2 =	stileid.u32  }
0x19f: {  	s1 =	rddreg [dreg:$0x1];
	p0 =	sne.s32 s2, $0x0  }
0x1a0: {  	s3 =	rddreg [dreg:$0x2];
	[bflag:$0x3] =	sbarrier.arrive $0xFFFF;
	s2 =	simm.s32 @!p0 $0x1C07  }
0x1a1: {  	[timem:s3], [sflag:s2] =	dma.local @!p0 [hbm:s0], s1  }
0x1a2: {  	s0 =	simm.s32 @!p0 $0x7  }
0x1a3: {  	_ =	swait.ge @!p0 [sflag:s0], s1  }
0x1a4: {  	s1 =	ssub.s32 @!p0 $0x0, s1;
	[sflag:s0] =	ssyncset.done @!p0 $0x0  }
0x1a5: {  	[sflag:s0] =	ssyncadd.s32 @!p0 s1  }
0x1a6: {  	[bflag:$0x3] =	sbarrier.arrive $0xFFFF  }
0x1a7: {  	_ =	shalt  }

</sc_bundles>
